<compile_context>
chip_gen: v7x
topology: tpu7x:2x2x1
jax: 0.10.2.dev20260603
libtpu: 0.0.44.dev20260713+nightly
codegen_flags: <defaults>
</compile_context>

<pallas_src>
import functools

import numpy as np

import jax
import jax.numpy as jnp
from jax import lax
from jax.experimental import pallas as pl
from jax.experimental.pallas import tpu as pltpu
from jax.experimental.pallas import tpu_sc as plsc

NC = 2
NS = 16
NW = NC * NS

NSEG = 512
DIN = 128
CW = 16
BLK = 80
NBUF = 2

_ZACC = np.zeros((NSEG, DIN), np.float32)


def _sc_segment_sums(x, batch, zacc):
    n = x.shape[0]
    nblk = n // BLK
    nstream = NW - 1
    kmax = (nblk + nstream - 1) // nstream
    nvec = NSEG // CW
    steps = max(1, (n - 1).bit_length())
    mesh = plsc.VectorSubcoreMesh(
        core_axis_name="c", subcore_axis_name="s",
        num_cores=NC, num_subcores=NS)

    @functools.partial(
        pl.kernel,
        out_type=(
            jax.ShapeDtypeStruct((NC, NSEG, DIN), jnp.float32),
            jax.ShapeDtypeStruct((NSEG,), jnp.float32),
        ),
        mesh=mesh,
        compiler_params=pltpu.CompilerParams(needs_layout_passes=False),
        scratch_types=[
            pltpu.VMEM((NBUF, BLK, DIN), jnp.float32),
            pltpu.VMEM((NBUF, BLK), jnp.int32),
            pltpu.VMEM((n,), jnp.int32),
            pltpu.VMEM((NSEG + 2 * CW,), jnp.int32),
            pltpu.VMEM((NSEG,), jnp.float32),
            pltpu.VMEM_SHARED((NSEG, DIN), jnp.float32),
            pltpu.SemaphoreType.DMA,
            pltpu.SemaphoreType.DMA,
        ],
    )
    def sc_kernel(x_hbm, b_hbm, zacc_hbm, pacc_hbm, cnt_hbm,
                  xbuf, idxbuf, bfull, ubuf, cbuf, acc, semx, semi):
        c = lax.axis_index("c")
        s = lax.axis_index("s")
        wid = s * NC + c

        rows = NSEG // NS
        pltpu.sync_copy(zacc_hbm.at[pl.ds(s * rows, rows), :],
                        acc.at[pl.ds(s * rows, rows), :])
        plsc.subcore_barrier()

        @pl.when(wid < nstream)
        def _stream():
            def start_fetch(i, p):
                blk = wid + i * nstream

                @pl.when(blk < nblk)
                def _():
                    pltpu.async_copy(
                        x_hbm.at[pl.ds(blk * BLK, BLK), :], xbuf.at[p], semx)
                    pltpu.async_copy(
                        b_hbm.at[pl.ds(blk * BLK, BLK)], idxbuf.at[p], semi)

            for j in range(NBUF - 1):
                start_fetch(j, j)

            def body(i, carry):
                p = lax.rem(i, NBUF)
                start_fetch(i + (NBUF - 1), lax.rem(i + (NBUF - 1), NBUF))
                blk = wid + i * nstream

                @pl.when(blk < nblk)
                def _():
                    pltpu.make_async_copy(
                        x_hbm.at[pl.ds(blk * BLK, BLK), :], xbuf.at[p],
                        semx).wait()
                    pltpu.make_async_copy(
                        b_hbm.at[pl.ds(blk * BLK, BLK)], idxbuf.at[p],
                        semi).wait()
                    pltpu.sync_copy(xbuf.at[p], acc.at[idxbuf.at[p]],
                                    add=True)

                return carry

            lax.fori_loop(0, kmax, body, 0)

        @pl.when(wid == NW - 1)
        def _counts():
            pltpu.sync_copy(b_hbm, bfull)
            zed = jnp.zeros((CW,), jnp.int32)
            ubuf[pl.ds(0, CW)] = zed

            def search(v, carry):
                t = lax.broadcasted_iota(jnp.int32, (CW,), 0) + v * CW + 1
                lo = jnp.zeros((CW,), jnp.int32)
                hi = jnp.full((CW,), n, jnp.int32)
                for _ in range(steps):
                    mid = lax.shift_right_logical(lo + hi, 1)
                    bv = plsc.load_gather(
                        bfull, [jnp.minimum(mid, n - 1)])
                    p = bv < t
                    lo = jnp.where(p, mid + 1, lo)
                    hi = jnp.where(p, hi, mid)
                ubuf[pl.ds(CW + v * CW, CW)] = hi
                return carry

            lax.fori_loop(0, nvec, search, 0)

            def diff(v, carry):
                a = ubuf[pl.ds(CW + v * CW, CW)]
                bb = ubuf[pl.ds(CW - 1 + v * CW, CW)]
                cbuf[pl.ds(v * CW, CW)] = (a - bb).astype(jnp.float32)
                return carry

            lax.fori_loop(0, nvec, diff, 0)
            pltpu.sync_copy(cbuf, cnt_hbm)

        plsc.subcore_barrier()

        pltpu.sync_copy(acc.at[pl.ds(s * rows, rows), :],
                        pacc_hbm.at[c, pl.ds(s * rows, rows), :])

    return sc_kernel(x, batch, zacc)


def _tc_finish(pacc, cnt, W, b):
    def body(pacc_ref, cnt_ref, w_ref, b_ref, out_ref):
        ssum = pacc_ref[0] + pacc_ref[1]
        cnts = cnt_ref[...].reshape(NSEG, 1)
        bias = b_ref[...].reshape(1, DIN)
        out_ref[...] = lax.dot_general(
            ssum, w_ref[...], (((1,), (1,)), ((), ())),
            preferred_element_type=jnp.float32) + cnts * bias

    return pl.pallas_call(
        body,
        out_shape=jax.ShapeDtypeStruct((NSEG, DIN), jnp.float32),
    )(pacc, cnt, W, b)


def kernel(x, edge_index, batch, W, b):
    del edge_index
    batch = batch.astype(jnp.int32)
    pacc, cnt = _sc_segment_sums(x, batch, _ZACC)
    return _tc_finish(pacc, cnt, W, b)

# --- scband reference (transcript-rebuilt; emitter-appended) ---
"""Pipeline reference for scband-graph-aggregator-67010079752516 (READ-ONLY COPY).

The authoritative reference and input builder live on the scoring server;
editing this copy changes nothing except your own understanding.
"""

import jax, jax.numpy as jnp
import numpy as np

N_NODES = 100000
N_EDGES = 1600000
D_IN = 128
D_OUT = 128
NUM_SEGMENTS = 512


def setup_inputs(seed: int = 0) -> dict:
    key = jax.random.key(seed)
    k_x, k_ei, k_b, k_w, k_bias = jax.random.split(key, 5)
    x = jax.random.normal(k_x, (N_NODES, D_IN), dtype=jnp.float32)
    edge_index = jax.random.randint(k_ei, (2, N_EDGES), 0, N_NODES, dtype=jnp.int64)
    batch = jnp.sort(jax.random.randint(k_b, (N_NODES,), 0, NUM_SEGMENTS, dtype=jnp.int64))
    # Linear layer parameters (PyTorch nn.Linear: weight [out, in], bias [out])
    bound = 1.0 / np.sqrt(D_IN)
    W = jax.random.uniform(k_w, (D_OUT, D_IN), minval=-bound, maxval=bound, dtype=jnp.float32)
    b = jax.random.uniform(k_bias, (D_OUT,), minval=-bound, maxval=bound, dtype=jnp.float32)
    return {"x": x, "edge_index": edge_index, "batch": batch, "W": W, "b": b}


def reference(x, edge_index, batch, W, b):
    # x_states = self.lin(x)
    x_states = x @ W.T + b
    # x_states = scatter_sum(x_states, batch, dim=0)
    out = jax.ops.segment_sum(x_states, batch, num_segments=NUM_SEGMENTS)
    return out

if __name__ == "__main__":
    import jax
    _d = setup_inputs()
    print(jax.jit(kernel)(*tuple(_d.values())))

</pallas_src>

<mosaic_0001>
#map = affine_map<(d0, d1) -> (0, 0)>
#map1 = affine_map<(d0, d1) -> (0)>
#map2 = affine_map<(d0, d1) -> (0, 0, 0)>
module attributes {stable_mosaic.version = 14 : i64} {
  func.func @sc_kernel(%arg0: i32, %arg1: i32, %arg2: memref<100000x128xf32, #tpu.memory_space<hbm>>, %arg3: memref<100000xi32, #tpu.memory_space<hbm>>, %arg4: memref<512x128xf32, #tpu.memory_space<hbm>>, %arg5: memref<2x512x128xf32, #tpu.memory_space<hbm>>, %arg6: memref<512xf32, #tpu.memory_space<hbm>>, %arg7: memref<2x80x128xf32, #tpu.memory_space<vmem>>, %arg8: memref<2x80xi32, #tpu.memory_space<vmem>>, %arg9: memref<100000xi32, #tpu.memory_space<vmem>>, %arg10: memref<544xi32, #tpu.memory_space<vmem>>, %arg11: memref<512xf32, #tpu.memory_space<vmem>>, %arg12: memref<512x128xf32, #tpu.memory_space<vmem_shared>>, %arg13: memref<!tpu.dma_semaphore, #tpu.memory_space<semaphore_mem>>, %arg14: memref<!tpu.dma_semaphore, #tpu.memory_space<semaphore_mem>>) attributes {dimension_semantics = [#tpu.dimension_semantics<core_parallel>, #tpu.dimension_semantics<subcore_parallel>], iteration_bounds = array<i64: 2, 16>, scalar_prefetch = 0 : i64, scratch_operands = 8 : i64, tpu.core_type = #tpu.core_type<sc_vector_subcore>, window_params = [{transform_indices = #map}, {transform_indices = #map1}, {transform_indices = #map}, {transform_indices = #map2}, {transform_indices = #map1}]} {
    %mul3A = arith.constant 2 : i32
    %mul3A_0 = arith.muli %arg1, %mul3A : i32
    %add3A = arith.addi %mul3A_0, %arg0 : i32
    %mul3A_1 = arith.constant 32 : i32
    %mul3A_2 = arith.muli %arg1, %mul3A_1 : i32
    %mul3A_3 = arith.constant 32 : i32
    %mul3A_4 = arith.muli %arg1, %mul3A_3 : i32
    "tpu.region"() ({
      %run_scoped3A = tpu.sem_alloc : memref<!tpu.dma_semaphore, #tpu.memory_space<semaphore_mem>>
      %dma_start3A = arith.constant 0 : i32
      %dma_start3A_16 = tpu.memref_slice %arg12[%mul3A_4, %dma_start3A] : memref<512x128xf32, #tpu.memory_space<vmem_shared>> -> memref<32x128xf32, #tpu.memory_space<vmem_shared>>
      %dma_start3A_17 = arith.constant 0 : i32
      %dma_start3A_18 = tpu.memref_slice %arg4[%mul3A_2, %dma_start3A_17] : memref<512x128xf32, #tpu.memory_space<hbm>> -> memref<32x128xf32, #tpu.memory_space<hbm>>
      tpu.enqueue_dma source(%dma_start3A_18 : memref<32x128xf32, #tpu.memory_space<hbm>>) target(%dma_start3A_16 : memref<32x128xf32, #tpu.memory_space<vmem_shared>>) target_semaphore(%run_scoped3A : memref<!tpu.dma_semaphore, #tpu.memory_space<semaphore_mem>>)
      %dma_wait3A = arith.constant 0 : i32
      %dma_wait3A_19 = tpu.memref_slice %arg12[%mul3A_4, %dma_wait3A] : memref<512x128xf32, #tpu.memory_space<vmem_shared>> -> memref<32x128xf32, #tpu.memory_space<vmem_shared>>
      %dma_wait3A_20 = arith.constant 0 : i32
      %dma_wait3A_21 = tpu.memref_slice %arg4[%mul3A_2, %dma_wait3A_20] : memref<512x128xf32, #tpu.memory_space<hbm>> -> memref<32x128xf32, #tpu.memory_space<hbm>>
      tpu.wait_dma2 semaphore(%run_scoped3A : memref<!tpu.dma_semaphore, #tpu.memory_space<semaphore_mem>>) src(%dma_wait3A_21 : memref<32x128xf32, #tpu.memory_space<hbm>>) dst(%dma_wait3A_19 : memref<32x128xf32, #tpu.memory_space<vmem_shared>>)
      tpu.yield
    }) : () -> ()
    %barrier3A = arith.constant 0 : index
    tpu.barrier barrier_id(%barrier3A)
    %lt3A = arith.constant 31 : i32
    %lt3A_5 = arith.cmpi slt, %add3A, %lt3A : i32
    %convert_element_type3A = arith.extui %lt3A_5 : i1 to i32
    %cond3A = arith.constant 0 : i32
    %cond3A_6 = arith.cmpi ne, %convert_element_type3A, %cond3A : i32
    scf.if %cond3A_6 {
      %add3A_16 = arith.constant 0 : i32
      %add3A_17 = arith.addi %add3A, %add3A_16 : i32
      %lt3A_18 = arith.constant 1250 : i32
      %lt3A_19 = arith.cmpi slt, %add3A_17, %lt3A_18 : i32
      %convert_element_type3A_20 = arith.extui %lt3A_19 : i1 to i32
      %cond3A_21 = arith.constant 0 : i32
      %cond3A_22 = arith.cmpi ne, %convert_element_type3A_20, %cond3A_21 : i32
      scf.if %cond3A_22 {
        %mul3A_28 = arith.constant 80 : i32
        %mul3A_29 = arith.muli %add3A_17, %mul3A_28 : i32
        %dma_start3A = arith.constant 0 : i32
        %dma_start3A_30 = arith.constant 0 : i32
        %dma_start3A_31 = arith.constant 0 : i32
        %dma_start3A_32 = tpu.memref_slice %arg7[%dma_start3A, %dma_start3A_30, %dma_start3A_31] : memref<2x80x128xf32, #tpu.memory_space<vmem>> -> memref<1x80x128xf32, #tpu.memory_space<vmem>>
        %dma_start3A_33 = tpu.memref_squeeze %dma_start3A_32 : memref<1x80x128xf32, #tpu.memory_space<vmem>> -> memref<80x128xf32, #tpu.memory_space<vmem>>
        %dma_start3A_34 = arith.constant 0 : i32
        %dma_start3A_35 = tpu.memref_slice %arg2[%mul3A_29, %dma_start3A_34] : memref<100000x128xf32, #tpu.memory_space<hbm>> -> memref<80x128xf32, #tpu.memory_space<hbm>>
        %dma_start3A_36 = arith.constant 0 : i32
        %dma_start3A_37 = arith.constant 0 : i32
        %dma_start3A_38 = tpu.memref_slice %arg7[%dma_start3A, %dma_start3A_36, %dma_start3A_37] : memref<2x80x128xf32, #tpu.memory_space<vmem>> -> memref<1x80x128xf32, #tpu.memory_space<vmem>>
        %dma_start3A_39 = tpu.memref_squeeze %dma_start3A_38 : memref<1x80x128xf32, #tpu.memory_space<vmem>> -> memref<80x128xf32, #tpu.memory_space<vmem>>
        %dma_start3A_40 = arith.constant 0 : i32
        %dma_start3A_41 = tpu.memref_slice %arg2[%mul3A_29, %dma_start3A_40] : memref<100000x128xf32, #tpu.memory_space<hbm>> -> memref<80x128xf32, #tpu.memory_space<hbm>>
        tpu.enqueue_dma source(%dma_start3A_41 : memref<80x128xf32, #tpu.memory_space<hbm>>) target(%dma_start3A_39 : memref<80x128xf32, #tpu.memory_space<vmem>>) target_semaphore(%arg13 : memref<!tpu.dma_semaphore, #tpu.memory_space<semaphore_mem>>)
        %mul3A_42 = arith.constant 80 : i32
        %mul3A_43 = arith.muli %add3A_17, %mul3A_42 : i32
        %dma_start3A_44 = arith.constant 0 : i32
        %dma_start3A_45 = arith.constant 0 : i32
        %dma_start3A_46 = tpu.memref_slice %arg8[%dma_start3A_44, %dma_start3A_45] : memref<2x80xi32, #tpu.memory_space<vmem>> -> memref<1x80xi32, #tpu.memory_space<vmem>>
        %dma_start3A_47 = tpu.memref_squeeze %dma_start3A_46 : memref<1x80xi32, #tpu.memory_space<vmem>> -> memref<80xi32, #tpu.memory_space<vmem>>
        %dma_start3A_48 = tpu.memref_slice %arg3[%mul3A_43] : memref<100000xi32, #tpu.memory_space<hbm>> -> memref<80xi32, #tpu.memory_space<hbm>>
        %dma_start3A_49 = arith.constant 0 : i32
        %dma_start3A_50 = tpu.memref_slice %arg8[%dma_start3A_44, %dma_start3A_49] : memref<2x80xi32, #tpu.memory_space<vmem>> -> memref<1x80xi32, #tpu.memory_space<vmem>>
        %dma_start3A_51 = tpu.memref_squeeze %dma_start3A_50 : memref<1x80xi32, #tpu.memory_space<vmem>> -> memref<80xi32, #tpu.memory_space<vmem>>
        %dma_start3A_52 = tpu.memref_slice %arg3[%mul3A_43] : memref<100000xi32, #tpu.memory_space<hbm>> -> memref<80xi32, #tpu.memory_space<hbm>>
        tpu.enqueue_dma source(%dma_start3A_52 : memref<80xi32, #tpu.memory_space<hbm>>) target(%dma_start3A_51 : memref<80xi32, #tpu.memory_space<vmem>>) target_semaphore(%arg14 : memref<!tpu.dma_semaphore, #tpu.memory_space<semaphore_mem>>)
      } else {
      }
      %scan3A = arith.constant 0 : i32
      %scan3A_23 = arith.constant 0 : i32
      %scan3A_24 = arith.constant 41 : i32
      %scan3A_25 = arith.addi %scan3A_23, %scan3A_24 : i32
      %scan3A_26 = arith.constant 1 : i32
      scf.for %scan3A_28 = %scan3A_23 to %scan3A_25 step %scan3A_26  : i32 {
        %rem3A = arith.constant 2 : i32
        %rem3A_29 = arith.remsi %scan3A_28, %rem3A : i32
        %add3A_30 = arith.constant 1 : i32
        %add3A_31 = arith.addi %scan3A_28, %add3A_30 : i32
        %add3A_32 = arith.constant 1 : i32
        %add3A_33 = arith.addi %scan3A_28, %add3A_32 : i32
        %rem3A_34 = arith.constant 2 : i32
        %rem3A_35 = arith.remsi %add3A_33, %rem3A_34 : i32
        %mul3A_36 = arith.constant 31 : i32
        %mul3A_37 = arith.muli %add3A_31, %mul3A_36 : i32
        %add3A_38 = arith.addi %add3A, %mul3A_37 : i32
        %lt3A_39 = arith.constant 1250 : i32
        %lt3A_40 = arith.cmpi slt, %add3A_38, %lt3A_39 : i32
        %convert_element_type3A_41 = arith.extui %lt3A_40 : i1 to i32
        %cond3A_42 = arith.constant 0 : i32
        %cond3A_43 = arith.cmpi ne, %convert_element_type3A_41, %cond3A_42 : i32
        scf.if %cond3A_43 {
          %mul3A_52 = arith.constant 80 : i32
          %mul3A_53 = arith.muli %add3A_38, %mul3A_52 : i32
          %dma_start3A = arith.constant 0 : i32
          %dma_start3A_54 = arith.constant 0 : i32
          %dma_start3A_55 = tpu.memref_slice %arg7[%rem3A_35, %dma_start3A, %dma_start3A_54] : memref<2x80x128xf32, #tpu.memory_space<vmem>> -> memref<1x80x128xf32, #tpu.memory_space<vmem>>
          %dma_start3A_56 = tpu.memref_squeeze %dma_start3A_55 : memref<1x80x128xf32, #tpu.memory_space<vmem>> -> memref<80x128xf32, #tpu.memory_space<vmem>>
          %dma_start3A_57 = arith.constant 0 : i32
          %dma_start3A_58 = tpu.memref_slice %arg2[%mul3A_53, %dma_start3A_57] : memref<100000x128xf32, #tpu.memory_space<hbm>> -> memref<80x128xf32, #tpu.memory_space<hbm>>
          %dma_start3A_59 = arith.constant 0 : i32
          %dma_start3A_60 = arith.constant 0 : i32
          %dma_start3A_61 = tpu.memref_slice %arg7[%rem3A_35, %dma_start3A_59, %dma_start3A_60] : memref<2x80x128xf32, #tpu.memory_space<vmem>> -> memref<1x80x128xf32, #tpu.memory_space<vmem>>
          %dma_start3A_62 = tpu.memref_squeeze %dma_start3A_61 : memref<1x80x128xf32, #tpu.memory_space<vmem>> -> memref<80x128xf32, #tpu.memory_space<vmem>>
          %dma_start3A_63 = arith.constant 0 : i32
          %dma_start3A_64 = tpu.memref_slice %arg2[%mul3A_53, %dma_start3A_63] : memref<100000x128xf32, #tpu.memory_space<hbm>> -> memref<80x128xf32, #tpu.memory_space<hbm>>
          tpu.enqueue_dma source(%dma_start3A_64 : memref<80x128xf32, #tpu.memory_space<hbm>>) target(%dma_start3A_62 : memref<80x128xf32, #tpu.memory_space<vmem>>) target_semaphore(%arg13 : memref<!tpu.dma_semaphore, #tpu.memory_space<semaphore_mem>>)
          %mul3A_65 = arith.constant 80 : i32
          %mul3A_66 = arith.muli %add3A_38, %mul3A_65 : i32
          %dma_start3A_67 = arith.constant 0 : i32
          %dma_start3A_68 = tpu.memref_slice %arg8[%rem3A_35, %dma_start3A_67] : memref<2x80xi32, #tpu.memory_space<vmem>> -> memref<1x80xi32, #tpu.memory_space<vmem>>
          %dma_start3A_69 = tpu.memref_squeeze %dma_start3A_68 : memref<1x80xi32, #tpu.memory_space<vmem>> -> memref<80xi32, #tpu.memory_space<vmem>>
          %dma_start3A_70 = tpu.memref_slice %arg3[%mul3A_66] : memref<100000xi32, #tpu.memory_space<hbm>> -> memref<80xi32, #tpu.memory_space<hbm>>
          %dma_start3A_71 = arith.constant 0 : i32
          %dma_start3A_72 = tpu.memref_slice %arg8[%rem3A_35, %dma_start3A_71] : memref<2x80xi32, #tpu.memory_space<vmem>> -> memref<1x80xi32, #tpu.memory_space<vmem>>
          %dma_start3A_73 = tpu.memref_squeeze %dma_start3A_72 : memref<1x80xi32, #tpu.memory_space<vmem>> -> memref<80xi32, #tpu.memory_space<vmem>>
          %dma_start3A_74 = tpu.memref_slice %arg3[%mul3A_66] : memref<100000xi32, #tpu.memory_space<hbm>> -> memref<80xi32, #tpu.memory_space<hbm>>
          tpu.enqueue_dma source(%dma_start3A_74 : memref<80xi32, #tpu.memory_space<hbm>>) target(%dma_start3A_73 : memref<80xi32, #tpu.memory_space<vmem>>) target_semaphore(%arg14 : memref<!tpu.dma_semaphore, #tpu.memory_space<semaphore_mem>>)
        } else {
        }
        %mul3A_44 = arith.constant 31 : i32
        %mul3A_45 = arith.muli %scan3A_28, %mul3A_44 : i32
        %add3A_46 = arith.addi %add3A, %mul3A_45 : i32
        %lt3A_47 = arith.constant 1250 : i32
        %lt3A_48 = arith.cmpi slt, %add3A_46, %lt3A_47 : i32
        %convert_element_type3A_49 = arith.extui %lt3A_48 : i1 to i32
        %cond3A_50 = arith.constant 0 : i32
        %cond3A_51 = arith.cmpi ne, %convert_element_type3A_49, %cond3A_50 : i32
        scf.if %cond3A_51 {
          %mul3A_52 = arith.constant 80 : i32
          %mul3A_53 = arith.muli %add3A_46, %mul3A_52 : i32
          %dma_wait3A = arith.constant 0 : i32
          %dma_wait3A_54 = arith.constant 0 : i32
          %dma_wait3A_55 = tpu.memref_slice %arg7[%rem3A_29, %dma_wait3A, %dma_wait3A_54] : memref<2x80x128xf32, #tpu.memory_space<vmem>> -> memref<1x80x128xf32, #tpu.memory_space<vmem>>
          %dma_wait3A_56 = tpu.memref_squeeze %dma_wait3A_55 : memref<1x80x128xf32, #tpu.memory_space<vmem>> -> memref<80x128xf32, #tpu.memory_space<vmem>>
          %dma_wait3A_57 = arith.constant 0 : i32
          %dma_wait3A_58 = tpu.memref_slice %arg2[%mul3A_53, %dma_wait3A_57] : memref<100000x128xf32, #tpu.memory_space<hbm>> -> memref<80x128xf32, #tpu.memory_space<hbm>>
          %dma_wait3A_59 = arith.constant 0 : i32
          %dma_wait3A_60 = arith.constant 0 : i32
          %dma_wait3A_61 = tpu.memref_slice %arg7[%rem3A_29, %dma_wait3A_59, %dma_wait3A_60] : memref<2x80x128xf32, #tpu.memory_space<vmem>> -> memref<1x80x128xf32, #tpu.memory_space<vmem>>
          %dma_wait3A_62 = tpu.memref_squeeze %dma_wait3A_61 : memref<1x80x128xf32, #tpu.memory_space<vmem>> -> memref<80x128xf32, #tpu.memory_space<vmem>>
          %dma_wait3A_63 = arith.constant 0 : i32
          %dma_wait3A_64 = tpu.memref_slice %arg2[%mul3A_53, %dma_wait3A_63] : memref<100000x128xf32, #tpu.memory_space<hbm>> -> memref<80x128xf32, #tpu.memory_space<hbm>>
          tpu.wait_dma2 semaphore(%arg13 : memref<!tpu.dma_semaphore, #tpu.memory_space<semaphore_mem>>) src(%dma_wait3A_64 : memref<80x128xf32, #tpu.memory_space<hbm>>) dst(%dma_wait3A_62 : memref<80x128xf32, #tpu.memory_space<vmem>>)
          %mul3A_65 = arith.constant 80 : i32
          %mul3A_66 = arith.muli %add3A_46, %mul3A_65 : i32
          %dma_wait3A_67 = arith.constant 0 : i32
          %dma_wait3A_68 = tpu.memref_slice %arg8[%rem3A_29, %dma_wait3A_67] : memref<2x80xi32, #tpu.memory_space<vmem>> -> memref<1x80xi32, #tpu.memory_space<vmem>>
          %dma_wait3A_69 = tpu.memref_squeeze %dma_wait3A_68 : memref<1x80xi32, #tpu.memory_space<vmem>> -> memref<80xi32, #tpu.memory_space<vmem>>
          %dma_wait3A_70 = tpu.memref_slice %arg3[%mul3A_66] : memref<100000xi32, #tpu.memory_space<hbm>> -> memref<80xi32, #tpu.memory_space<hbm>>
          %dma_wait3A_71 = arith.constant 0 : i32
          %dma_wait3A_72 = tpu.memref_slice %arg8[%rem3A_29, %dma_wait3A_71] : memref<2x80xi32, #tpu.memory_space<vmem>> -> memref<1x80xi32, #tpu.memory_space<vmem>>
          %dma_wait3A_73 = tpu.memref_squeeze %dma_wait3A_72 : memref<1x80xi32, #tpu.memory_space<vmem>> -> memref<80xi32, #tpu.memory_space<vmem>>
          %dma_wait3A_74 = tpu.memref_slice %arg3[%mul3A_66] : memref<100000xi32, #tpu.memory_space<hbm>> -> memref<80xi32, #tpu.memory_space<hbm>>
          tpu.wait_dma2 semaphore(%arg14 : memref<!tpu.dma_semaphore, #tpu.memory_space<semaphore_mem>>) src(%dma_wait3A_74 : memref<80xi32, #tpu.memory_space<hbm>>) dst(%dma_wait3A_73 : memref<80xi32, #tpu.memory_space<vmem>>)
          "tpu.region"() ({
            %run_scoped3A = tpu.sem_alloc : memref<!tpu.dma_semaphore, #tpu.memory_space<semaphore_mem>>
            %dma_start3A = arith.constant 0 : i32
            %dma_start3A_75 = arith.constant 0 : i32
            %dma_start3A_76 = tpu.memref_slice %arg7[%rem3A_29, %dma_start3A, %dma_start3A_75] : memref<2x80x128xf32, #tpu.memory_space<vmem>> -> memref<1x80x128xf32, #tpu.memory_space<vmem>>
            %dma_start3A_77 = tpu.memref_squeeze %dma_start3A_76 : memref<1x80x128xf32, #tpu.memory_space<vmem>> -> memref<80x128xf32, #tpu.memory_space<vmem>>
            %dma_start3A_78 = arith.constant 0 : i32
            %dma_start3A_79 = tpu.memref_slice %arg8[%rem3A_29, %dma_start3A_78] : memref<2x80xi32, #tpu.memory_space<vmem>> -> memref<1x80xi32, #tpu.memory_space<vmem>>
            %dma_start3A_80 = tpu.memref_squeeze %dma_start3A_79 : memref<1x80xi32, #tpu.memory_space<vmem>> -> memref<80xi32, #tpu.memory_space<vmem>>
            %dma_start3A_81 = arith.constant 0 : i32
            %dma_start3A_82 = arith.constant 0 : i32
            %dma_start3A_83 = tpu.memref_slice %arg12[%dma_start3A_81, %dma_start3A_82] : memref<512x128xf32, #tpu.memory_space<vmem_shared>> -> memref<512x128xf32, #tpu.memory_space<vmem_shared>>
            tpu.enqueue_indirect_dma source(%dma_start3A_77 : memref<80x128xf32, #tpu.memory_space<vmem>>) target(%dma_start3A_83 : memref<512x128xf32, #tpu.memory_space<vmem_shared>>) offsets(%dma_start3A_80 : memref<80xi32, #tpu.memory_space<vmem>>) semaphore(%run_scoped3A : memref<!tpu.dma_semaphore, #tpu.memory_space<semaphore_mem>>) {add = true}
            %dma_wait3A_84 = arith.constant 0 : i32
            %dma_wait3A_85 = arith.constant 0 : i32
            %dma_wait3A_86 = tpu.memref_slice %arg7[%rem3A_29, %dma_wait3A_84, %dma_wait3A_85] : memref<2x80x128xf32, #tpu.memory_space<vmem>> -> memref<1x80x128xf32, #tpu.memory_space<vmem>>
            %dma_wait3A_87 = tpu.memref_squeeze %dma_wait3A_86 : memref<1x80x128xf32, #tpu.memory_space<vmem>> -> memref<80x128xf32, #tpu.memory_space<vmem>>
            %dma_wait3A_88 = arith.constant 0 : i32
            %dma_wait3A_89 = tpu.memref_slice %arg8[%rem3A_29, %dma_wait3A_88] : memref<2x80xi32, #tpu.memory_space<vmem>> -> memref<1x80xi32, #tpu.memory_space<vmem>>
            %dma_wait3A_90 = tpu.memref_squeeze %dma_wait3A_89 : memref<1x80xi32, #tpu.memory_space<vmem>> -> memref<80xi32, #tpu.memory_space<vmem>>
            %dma_wait3A_91 = arith.constant 0 : i32
            %dma_wait3A_92 = arith.constant 0 : i32
            %dma_wait3A_93 = tpu.memref_slice %arg12[%dma_wait3A_91, %dma_wait3A_92] : memref<512x128xf32, #tpu.memory_space<vmem_shared>> -> memref<512x128xf32, #tpu.memory_space<vmem_shared>>
            tpu.wait_indirect_dma semaphore(%run_scoped3A : memref<!tpu.dma_semaphore, #tpu.memory_space<semaphore_mem>>) src(%dma_wait3A_87 : memref<80x128xf32, #tpu.memory_space<vmem>>) dst(%dma_wait3A_93 : memref<512x128xf32, #tpu.memory_space<vmem_shared>>)
            tpu.yield
          }) : () -> ()
        } else {
        }
      }
      %scan3A_27 = arith.constant 41 : i32
    } else {
    }
    %eq3A = arith.constant 31 : i32
    %eq3A_7 = arith.cmpi eq, %add3A, %eq3A : i32
    %convert_element_type3A_8 = arith.extui %eq3A_7 : i1 to i32
    %cond3A_9 = arith.constant 0 : i32
    %cond3A_10 = arith.cmpi ne, %convert_element_type3A_8, %cond3A_9 : i32
    scf.if %cond3A_10 {
      "tpu.region"() ({
        %run_scoped3A = tpu.sem_alloc : memref<!tpu.dma_semaphore, #tpu.memory_space<semaphore_mem>>
        tpu.enqueue_dma source(%arg3 : memref<100000xi32, #tpu.memory_space<hbm>>) target(%arg9 : memref<100000xi32, #tpu.memory_space<vmem>>) target_semaphore(%run_scoped3A : memref<!tpu.dma_semaphore, #tpu.memory_space<semaphore_mem>>)
        tpu.wait_dma2 semaphore(%run_scoped3A : memref<!tpu.dma_semaphore, #tpu.memory_space<semaphore_mem>>) src(%arg3 : memref<100000xi32, #tpu.memory_space<hbm>>) dst(%arg9 : memref<100000xi32, #tpu.memory_space<vmem>>)
        tpu.yield
      }) : () -> ()
      %broadcast_in_dim3A = arith.constant 0 : i32
      %broadcast_in_dim3A_16 = vector.broadcast %broadcast_in_dim3A : i32 to vector<16xi32>
      %swap3A = arith.constant 0 : index
      %swap3A_17 = tpu.vector_load %arg10[%swap3A] {strides = array<i32>} : memref<544xi32, #tpu.memory_space<vmem>>, vector<16xi32>,
      tpu.vector_store %arg10[%swap3A], %broadcast_in_dim3A_16 {strides = array<i32>} : memref<544xi32, #tpu.memory_space<vmem>>, vector<16xi32>,
      %scan3A = arith.constant 0 : i32
      %scan3A_18 = arith.constant 0 : i32
      %scan3A_19 = arith.constant 32 : i32
      %scan3A_20 = arith.addi %scan3A_18, %scan3A_19 : i32
      %scan3A_21 = arith.constant 1 : i32
      scf.for %scan3A_29 = %scan3A_18 to %scan3A_20 step %scan3A_21  : i32 {
        %iota3A = tpu.iota {dimensions = array<i32: 0>} : vector<16xi32>
        %mul3A_30 = arith.constant 16 : i32
        %mul3A_31 = arith.muli %scan3A_29, %mul3A_30 : i32
        %add3A_32 = vector.broadcast %mul3A_31 : i32 to vector<16xi32>
        %add3A_33 = arith.addi %iota3A, %add3A_32 : vector<16xi32>
        %add3A_34 = arith.constant 1 : i32
        %add3A_35 = vector.broadcast %add3A_34 : i32 to vector<16xi32>
        %add3A_36 = arith.addi %add3A_33, %add3A_35 : vector<16xi32>
        %broadcast_in_dim3A_37 = arith.constant 0 : i32
        %broadcast_in_dim3A_38 = vector.broadcast %broadcast_in_dim3A_37 : i32 to vector<16xi32>
        %broadcast_in_dim3A_39 = arith.constant 100000 : i32
        %broadcast_in_dim3A_40 = vector.broadcast %broadcast_in_dim3A_39 : i32 to vector<16xi32>
        %add3A_41 = arith.addi %broadcast_in_dim3A_38, %broadcast_in_dim3A_40 : vector<16xi32>
        %shift_right_logical3A = arith.constant 1 : i32
        %shift_right_logical3A_42 = vector.broadcast %shift_right_logical3A : i32 to vector<16xi32>
        %shift_right_logical3A_43 = arith.shrui %add3A_41, %shift_right_logical3A_42 : vector<16xi32>
        %min3A = arith.constant 99999 : i32
        %min3A_44 = vector.broadcast %min3A : i32 to vector<16xi32>
        %min3A_45 = arith.minsi %shift_right_logical3A_43, %min3A_44 : vector<16xi32>
        %gather3A = tpu.vector_load_idx %arg9[%min3A_45] : memref<100000xi32, #tpu.memory_space<vmem>>[vector<16xi32>], vector<16xi32>,
        %lt3A_46 = arith.cmpi slt, %gather3A, %add3A_36 : vector<16xi32>
        %add3A_47 = arith.constant 1 : i32
        %add3A_48 = vector.broadcast %add3A_47 : i32 to vector<16xi32>
        %add3A_49 = arith.addi %shift_right_logical3A_43, %add3A_48 : vector<16xi32>
        %select_n3A = arith.select %lt3A_46, %add3A_49, %broadcast_in_dim3A_38 : vector<16xi1>, vector<16xi32>
        %select_n3A_50 = arith.select %lt3A_46, %broadcast_in_dim3A_40, %shift_right_logical3A_43 : vector<16xi1>, vector<16xi32>
        %add3A_51 = arith.addi %select_n3A, %select_n3A_50 : vector<16xi32>
        %shift_right_logical3A_52 = arith.constant 1 : i32
        %shift_right_logical3A_53 = vector.broadcast %shift_right_logical3A_52 : i32 to vector<16xi32>
        %shift_right_logical3A_54 = arith.shrui %add3A_51, %shift_right_logical3A_53 : vector<16xi32>
        %min3A_55 = arith.constant 99999 : i32
        %min3A_56 = vector.broadcast %min3A_55 : i32 to vector<16xi32>
        %min3A_57 = arith.minsi %shift_right_logical3A_54, %min3A_56 : vector<16xi32>
        %gather3A_58 = tpu.vector_load_idx %arg9[%min3A_57] : memref<100000xi32, #tpu.memory_space<vmem>>[vector<16xi32>], vector<16xi32>,
        %lt3A_59 = arith.cmpi slt, %gather3A_58, %add3A_36 : vector<16xi32>
        %add3A_60 = arith.constant 1 : i32
        %add3A_61 = vector.broadcast %add3A_60 : i32 to vector<16xi32>
        %add3A_62 = arith.addi %shift_right_logical3A_54, %add3A_61 : vector<16xi32>
        %select_n3A_63 = arith.select %lt3A_59, %add3A_62, %select_n3A : vector<16xi1>, vector<16xi32>
        %select_n3A_64 = arith.select %lt3A_59, %select_n3A_50, %shift_right_logical3A_54 : vector<16xi1>, vector<16xi32>
        %add3A_65 = arith.addi %select_n3A_63, %select_n3A_64 : vector<16xi32>
        %shift_right_logical3A_66 = arith.constant 1 : i32
        %shift_right_logical3A_67 = vector.broadcast %shift_right_logical3A_66 : i32 to vector<16xi32>
        %shift_right_logical3A_68 = arith.shrui %add3A_65, %shift_right_logical3A_67 : vector<16xi32>
        %min3A_69 = arith.constant 99999 : i32
        %min3A_70 = vector.broadcast %min3A_69 : i32 to vector<16xi32>
        %min3A_71 = arith.minsi %shift_right_logical3A_68, %min3A_70 : vector<16xi32>
        %gather3A_72 = tpu.vector_load_idx %arg9[%min3A_71] : memref<100000xi32, #tpu.memory_space<vmem>>[vector<16xi32>], vector<16xi32>,
        %lt3A_73 = arith.cmpi slt, %gather3A_72, %add3A_36 : vector<16xi32>
        %add3A_74 = arith.constant 1 : i32
        %add3A_75 = vector.broadcast %add3A_74 : i32 to vector<16xi32>
        %add3A_76 = arith.addi %shift_right_logical3A_68, %add3A_75 : vector<16xi32>
        %select_n3A_77 = arith.select %lt3A_73, %add3A_76, %select_n3A_63 : vector<16xi1>, vector<16xi32>
        %select_n3A_78 = arith.select %lt3A_73, %select_n3A_64, %shift_right_logical3A_68 : vector<16xi1>, vector<16xi32>
        %add3A_79 = arith.addi %select_n3A_77, %select_n3A_78 : vector<16xi32>
        %shift_right_logical3A_80 = arith.constant 1 : i32
        %shift_right_logical3A_81 = vector.broadcast %shift_right_logical3A_80 : i32 to vector<16xi32>
        %shift_right_logical3A_82 = arith.shrui %add3A_79, %shift_right_logical3A_81 : vector<16xi32>
        %min3A_83 = arith.constant 99999 : i32
        %min3A_84 = vector.broadcast %min3A_83 : i32 to vector<16xi32>
        %min3A_85 = arith.minsi %shift_right_logical3A_82, %min3A_84 : vector<16xi32>
        %gather3A_86 = tpu.vector_load_idx %arg9[%min3A_85] : memref<100000xi32, #tpu.memory_space<vmem>>[vector<16xi32>], vector<16xi32>,
        %lt3A_87 = arith.cmpi slt, %gather3A_86, %add3A_36 : vector<16xi32>
        %add3A_88 = arith.constant 1 : i32
        %add3A_89 = vector.broadcast %add3A_88 : i32 to vector<16xi32>
        %add3A_90 = arith.addi %shift_right_logical3A_82, %add3A_89 : vector<16xi32>
        %select_n3A_91 = arith.select %lt3A_87, %add3A_90, %select_n3A_77 : vector<16xi1>, vector<16xi32>
        %select_n3A_92 = arith.select %lt3A_87, %select_n3A_78, %shift_right_logical3A_82 : vector<16xi1>, vector<16xi32>
        %add3A_93 = arith.addi %select_n3A_91, %select_n3A_92 : vector<16xi32>
        %shift_right_logical3A_94 = arith.constant 1 : i32
        %shift_right_logical3A_95 = vector.broadcast %shift_right_logical3A_94 : i32 to vector<16xi32>
        %shift_right_logical3A_96 = arith.shrui %add3A_93, %shift_right_logical3A_95 : vector<16xi32>
        %min3A_97 = arith.constant 99999 : i32
        %min3A_98 = vector.broadcast %min3A_97 : i32 to vector<16xi32>
        %min3A_99 = arith.minsi %shift_right_logical3A_96, %min3A_98 : vector<16xi32>
        %gather3A_100 = tpu.vector_load_idx %arg9[%min3A_99] : memref<100000xi32, #tpu.memory_space<vmem>>[vector<16xi32>], vector<16xi32>,
        %lt3A_101 = arith.cmpi slt, %gather3A_100, %add3A_36 : vector<16xi32>
        %add3A_102 = arith.constant 1 : i32
        %add3A_103 = vector.broadcast %add3A_102 : i32 to vector<16xi32>
        %add3A_104 = arith.addi %shift_right_logical3A_96, %add3A_103 : vector<16xi32>
        %select_n3A_105 = arith.select %lt3A_101, %add3A_104, %select_n3A_91 : vector<16xi1>, vector<16xi32>
        %select_n3A_106 = arith.select %lt3A_101, %select_n3A_92, %shift_right_logical3A_96 : vector<16xi1>, vector<16xi32>
        %add3A_107 = arith.addi %select_n3A_105, %select_n3A_106 : vector<16xi32>
        %shift_right_logical3A_108 = arith.constant 1 : i32
        %shift_right_logical3A_109 = vector.broadcast %shift_right_logical3A_108 : i32 to vector<16xi32>
        %shift_right_logical3A_110 = arith.shrui %add3A_107, %shift_right_logical3A_109 : vector<16xi32>
        %min3A_111 = arith.constant 99999 : i32
        %min3A_112 = vector.broadcast %min3A_111 : i32 to vector<16xi32>
        %min3A_113 = arith.minsi %shift_right_logical3A_110, %min3A_112 : vector<16xi32>
        %gather3A_114 = tpu.vector_load_idx %arg9[%min3A_113] : memref<100000xi32, #tpu.memory_space<vmem>>[vector<16xi32>], vector<16xi32>,
        %lt3A_115 = arith.cmpi slt, %gather3A_114, %add3A_36 : vector<16xi32>
        %add3A_116 = arith.constant 1 : i32
        %add3A_117 = vector.broadcast %add3A_116 : i32 to vector<16xi32>
        %add3A_118 = arith.addi %shift_right_logical3A_110, %add3A_117 : vector<16xi32>
        %select_n3A_119 = arith.select %lt3A_115, %add3A_118, %select_n3A_105 : vector<16xi1>, vector<16xi32>
        %select_n3A_120 = arith.select %lt3A_115, %select_n3A_106, %shift_right_logical3A_110 : vector<16xi1>, vector<16xi32>
        %add3A_121 = arith.addi %select_n3A_119, %select_n3A_120 : vector<16xi32>
        %shift_right_logical3A_122 = arith.constant 1 : i32
        %shift_right_logical3A_123 = vector.broadcast %shift_right_logical3A_122 : i32 to vector<16xi32>
        %shift_right_logical3A_124 = arith.shrui %add3A_121, %shift_right_logical3A_123 : vector<16xi32>
        %min3A_125 = arith.constant 99999 : i32
        %min3A_126 = vector.broadcast %min3A_125 : i32 to vector<16xi32>
        %min3A_127 = arith.minsi %shift_right_logical3A_124, %min3A_126 : vector<16xi32>
        %gather3A_128 = tpu.vector_load_idx %arg9[%min3A_127] : memref<100000xi32, #tpu.memory_space<vmem>>[vector<16xi32>], vector<16xi32>,
        %lt3A_129 = arith.cmpi slt, %gather3A_128, %add3A_36 : vector<16xi32>
        %add3A_130 = arith.constant 1 : i32
        %add3A_131 = vector.broadcast %add3A_130 : i32 to vector<16xi32>
        %add3A_132 = arith.addi %shift_right_logical3A_124, %add3A_131 : vector<16xi32>
        %select_n3A_133 = arith.select %lt3A_129, %add3A_132, %select_n3A_119 : vector<16xi1>, vector<16xi32>
        %select_n3A_134 = arith.select %lt3A_129, %select_n3A_120, %shift_right_logical3A_124 : vector<16xi1>, vector<16xi32>
        %add3A_135 = arith.addi %select_n3A_133, %select_n3A_134 : vector<16xi32>
        %shift_right_logical3A_136 = arith.constant 1 : i32
        %shift_right_logical3A_137 = vector.broadcast %shift_right_logical3A_136 : i32 to vector<16xi32>
        %shift_right_logical3A_138 = arith.shrui %add3A_135, %shift_right_logical3A_137 : vector<16xi32>
        %min3A_139 = arith.constant 99999 : i32
        %min3A_140 = vector.broadcast %min3A_139 : i32 to vector<16xi32>
        %min3A_141 = arith.minsi %shift_right_logical3A_138, %min3A_140 : vector<16xi32>
        %gather3A_142 = tpu.vector_load_idx %arg9[%min3A_141] : memref<100000xi32, #tpu.memory_space<vmem>>[vector<16xi32>], vector<16xi32>,
        %lt3A_143 = arith.cmpi slt, %gather3A_142, %add3A_36 : vector<16xi32>
        %add3A_144 = arith.constant 1 : i32
        %add3A_145 = vector.broadcast %add3A_144 : i32 to vector<16xi32>
        %add3A_146 = arith.addi %shift_right_logical3A_138, %add3A_145 : vector<16xi32>
        %select_n3A_147 = arith.select %lt3A_143, %add3A_146, %select_n3A_133 : vector<16xi1>, vector<16xi32>
        %select_n3A_148 = arith.select %lt3A_143, %select_n3A_134, %shift_right_logical3A_138 : vector<16xi1>, vector<16xi32>
        %add3A_149 = arith.addi %select_n3A_147, %select_n3A_148 : vector<16xi32>
        %shift_right_logical3A_150 = arith.constant 1 : i32
        %shift_right_logical3A_151 = vector.broadcast %shift_right_logical3A_150 : i32 to vector<16xi32>
        %shift_right_logical3A_152 = arith.shrui %add3A_149, %shift_right_logical3A_151 : vector<16xi32>
        %min3A_153 = arith.constant 99999 : i32
        %min3A_154 = vector.broadcast %min3A_153 : i32 to vector<16xi32>
        %min3A_155 = arith.minsi %shift_right_logical3A_152, %min3A_154 : vector<16xi32>
        %gather3A_156 = tpu.vector_load_idx %arg9[%min3A_155] : memref<100000xi32, #tpu.memory_space<vmem>>[vector<16xi32>], vector<16xi32>,
        %lt3A_157 = arith.cmpi slt, %gather3A_156, %add3A_36 : vector<16xi32>
        %add3A_158 = arith.constant 1 : i32
        %add3A_159 = vector.broadcast %add3A_158 : i32 to vector<16xi32>
        %add3A_160 = arith.addi %shift_right_logical3A_152, %add3A_159 : vector<16xi32>
        %select_n3A_161 = arith.select %lt3A_157, %add3A_160, %select_n3A_147 : vector<16xi1>, vector<16xi32>
        %select_n3A_162 = arith.select %lt3A_157, %select_n3A_148, %shift_right_logical3A_152 : vector<16xi1>, vector<16xi32>
        %add3A_163 = arith.addi %select_n3A_161, %select_n3A_162 : vector<16xi32>
        %shift_right_logical3A_164 = arith.constant 1 : i32
        %shift_right_logical3A_165 = vector.broadcast %shift_right_logical3A_164 : i32 to vector<16xi32>
        %shift_right_logical3A_166 = arith.shrui %add3A_163, %shift_right_logical3A_165 : vector<16xi32>
        %min3A_167 = arith.constant 99999 : i32
        %min3A_168 = vector.broadcast %min3A_167 : i32 to vector<16xi32>
        %min3A_169 = arith.minsi %shift_right_logical3A_166, %min3A_168 : vector<16xi32>
        %gather3A_170 = tpu.vector_load_idx %arg9[%min3A_169] : memref<100000xi32, #tpu.memory_space<vmem>>[vector<16xi32>], vector<16xi32>,
        %lt3A_171 = arith.cmpi slt, %gather3A_170, %add3A_36 : vector<16xi32>
        %add3A_172 = arith.constant 1 : i32
        %add3A_173 = vector.broadcast %add3A_172 : i32 to vector<16xi32>
        %add3A_174 = arith.addi %shift_right_logical3A_166, %add3A_173 : vector<16xi32>
        %select_n3A_175 = arith.select %lt3A_171, %add3A_174, %select_n3A_161 : vector<16xi1>, vector<16xi32>
        %select_n3A_176 = arith.select %lt3A_171, %select_n3A_162, %shift_right_logical3A_166 : vector<16xi1>, vector<16xi32>
        %add3A_177 = arith.addi %select_n3A_175, %select_n3A_176 : vector<16xi32>
        %shift_right_logical3A_178 = arith.constant 1 : i32
        %shift_right_logical3A_179 = vector.broadcast %shift_right_logical3A_178 : i32 to vector<16xi32>
        %shift_right_logical3A_180 = arith.shrui %add3A_177, %shift_right_logical3A_179 : vector<16xi32>
        %min3A_181 = arith.constant 99999 : i32
        %min3A_182 = vector.broadcast %min3A_181 : i32 to vector<16xi32>
        %min3A_183 = arith.minsi %shift_right_logical3A_180, %min3A_182 : vector<16xi32>
        %gather3A_184 = tpu.vector_load_idx %arg9[%min3A_183] : memref<100000xi32, #tpu.memory_space<vmem>>[vector<16xi32>], vector<16xi32>,
        %lt3A_185 = arith.cmpi slt, %gather3A_184, %add3A_36 : vector<16xi32>
        %add3A_186 = arith.constant 1 : i32
        %add3A_187 = vector.broadcast %add3A_186 : i32 to vector<16xi32>
        %add3A_188 = arith.addi %shift_right_logical3A_180, %add3A_187 : vector<16xi32>
        %select_n3A_189 = arith.select %lt3A_185, %add3A_188, %select_n3A_175 : vector<16xi1>, vector<16xi32>
        %select_n3A_190 = arith.select %lt3A_185, %select_n3A_176, %shift_right_logical3A_180 : vector<16xi1>, vector<16xi32>
        %add3A_191 = arith.addi %select_n3A_189, %select_n3A_190 : vector<16xi32>
        %shift_right_logical3A_192 = arith.constant 1 : i32
        %shift_right_logical3A_193 = vector.broadcast %shift_right_logical3A_192 : i32 to vector<16xi32>
        %shift_right_logical3A_194 = arith.shrui %add3A_191, %shift_right_logical3A_193 : vector<16xi32>
        %min3A_195 = arith.constant 99999 : i32
        %min3A_196 = vector.broadcast %min3A_195 : i32 to vector<16xi32>
        %min3A_197 = arith.minsi %shift_right_logical3A_194, %min3A_196 : vector<16xi32>
        %gather3A_198 = tpu.vector_load_idx %arg9[%min3A_197] : memref<100000xi32, #tpu.memory_space<vmem>>[vector<16xi32>], vector<16xi32>,
        %lt3A_199 = arith.cmpi slt, %gather3A_198, %add3A_36 : vector<16xi32>
        %add3A_200 = arith.constant 1 : i32
        %add3A_201 = vector.broadcast %add3A_200 : i32 to vector<16xi32>
        %add3A_202 = arith.addi %shift_right_logical3A_194, %add3A_201 : vector<16xi32>
        %select_n3A_203 = arith.select %lt3A_199, %add3A_202, %select_n3A_189 : vector<16xi1>, vector<16xi32>
        %select_n3A_204 = arith.select %lt3A_199, %select_n3A_190, %shift_right_logical3A_194 : vector<16xi1>, vector<16xi32>
        %add3A_205 = arith.addi %select_n3A_203, %select_n3A_204 : vector<16xi32>
        %shift_right_logical3A_206 = arith.constant 1 : i32
        %shift_right_logical3A_207 = vector.broadcast %shift_right_logical3A_206 : i32 to vector<16xi32>
        %shift_right_logical3A_208 = arith.shrui %add3A_205, %shift_right_logical3A_207 : vector<16xi32>
        %min3A_209 = arith.constant 99999 : i32
        %min3A_210 = vector.broadcast %min3A_209 : i32 to vector<16xi32>
        %min3A_211 = arith.minsi %shift_right_logical3A_208, %min3A_210 : vector<16xi32>
        %gather3A_212 = tpu.vector_load_idx %arg9[%min3A_211] : memref<100000xi32, #tpu.memory_space<vmem>>[vector<16xi32>], vector<16xi32>,
        %lt3A_213 = arith.cmpi slt, %gather3A_212, %add3A_36 : vector<16xi32>
        %add3A_214 = arith.constant 1 : i32
        %add3A_215 = vector.broadcast %add3A_214 : i32 to vector<16xi32>
        %add3A_216 = arith.addi %shift_right_logical3A_208, %add3A_215 : vector<16xi32>
        %select_n3A_217 = arith.select %lt3A_213, %add3A_216, %select_n3A_203 : vector<16xi1>, vector<16xi32>
        %select_n3A_218 = arith.select %lt3A_213, %select_n3A_204, %shift_right_logical3A_208 : vector<16xi1>, vector<16xi32>
        %add3A_219 = arith.addi %select_n3A_217, %select_n3A_218 : vector<16xi32>
        %shift_right_logical3A_220 = arith.constant 1 : i32
        %shift_right_logical3A_221 = vector.broadcast %shift_right_logical3A_220 : i32 to vector<16xi32>
        %shift_right_logical3A_222 = arith.shrui %add3A_219, %shift_right_logical3A_221 : vector<16xi32>
        %min3A_223 = arith.constant 99999 : i32
        %min3A_224 = vector.broadcast %min3A_223 : i32 to vector<16xi32>
        %min3A_225 = arith.minsi %shift_right_logical3A_222, %min3A_224 : vector<16xi32>
        %gather3A_226 = tpu.vector_load_idx %arg9[%min3A_225] : memref<100000xi32, #tpu.memory_space<vmem>>[vector<16xi32>], vector<16xi32>,
        %lt3A_227 = arith.cmpi slt, %gather3A_226, %add3A_36 : vector<16xi32>
        %add3A_228 = arith.constant 1 : i32
        %add3A_229 = vector.broadcast %add3A_228 : i32 to vector<16xi32>
        %add3A_230 = arith.addi %shift_right_logical3A_222, %add3A_229 : vector<16xi32>
        %select_n3A_231 = arith.select %lt3A_227, %add3A_230, %select_n3A_217 : vector<16xi1>, vector<16xi32>
        %select_n3A_232 = arith.select %lt3A_227, %select_n3A_218, %shift_right_logical3A_222 : vector<16xi1>, vector<16xi32>
        %add3A_233 = arith.addi %select_n3A_231, %select_n3A_232 : vector<16xi32>
        %shift_right_logical3A_234 = arith.constant 1 : i32
        %shift_right_logical3A_235 = vector.broadcast %shift_right_logical3A_234 : i32 to vector<16xi32>
        %shift_right_logical3A_236 = arith.shrui %add3A_233, %shift_right_logical3A_235 : vector<16xi32>
        %min3A_237 = arith.constant 99999 : i32
        %min3A_238 = vector.broadcast %min3A_237 : i32 to vector<16xi32>
        %min3A_239 = arith.minsi %shift_right_logical3A_236, %min3A_238 : vector<16xi32>
        %gather3A_240 = tpu.vector_load_idx %arg9[%min3A_239] : memref<100000xi32, #tpu.memory_space<vmem>>[vector<16xi32>], vector<16xi32>,
        %lt3A_241 = arith.cmpi slt, %gather3A_240, %add3A_36 : vector<16xi32>
        %add3A_242 = arith.constant 1 : i32
        %add3A_243 = vector.broadcast %add3A_242 : i32 to vector<16xi32>
        %add3A_244 = arith.addi %shift_right_logical3A_236, %add3A_243 : vector<16xi32>
        %select_n3A_245 = arith.select %lt3A_241, %add3A_244, %select_n3A_231 : vector<16xi1>, vector<16xi32>
        %select_n3A_246 = arith.select %lt3A_241, %select_n3A_232, %shift_right_logical3A_236 : vector<16xi1>, vector<16xi32>
        %add3A_247 = arith.addi %select_n3A_245, %select_n3A_246 : vector<16xi32>
        %shift_right_logical3A_248 = arith.constant 1 : i32
        %shift_right_logical3A_249 = vector.broadcast %shift_right_logical3A_248 : i32 to vector<16xi32>
        %shift_right_logical3A_250 = arith.shrui %add3A_247, %shift_right_logical3A_249 : vector<16xi32>
        %min3A_251 = arith.constant 99999 : i32
        %min3A_252 = vector.broadcast %min3A_251 : i32 to vector<16xi32>
        %min3A_253 = arith.minsi %shift_right_logical3A_250, %min3A_252 : vector<16xi32>
        %gather3A_254 = tpu.vector_load_idx %arg9[%min3A_253] : memref<100000xi32, #tpu.memory_space<vmem>>[vector<16xi32>], vector<16xi32>,
        %lt3A_255 = arith.cmpi slt, %gather3A_254, %add3A_36 : vector<16xi32>
        %add3A_256 = arith.constant 1 : i32
        %add3A_257 = vector.broadcast %add3A_256 : i32 to vector<16xi32>
        %add3A_258 = arith.addi %shift_right_logical3A_250, %add3A_257 : vector<16xi32>
        %select_n3A_259 = arith.select %lt3A_255, %add3A_258, %select_n3A_245 : vector<16xi1>, vector<16xi32>
        %select_n3A_260 = arith.select %lt3A_255, %select_n3A_246, %shift_right_logical3A_250 : vector<16xi1>, vector<16xi32>
        %add3A_261 = arith.addi %select_n3A_259, %select_n3A_260 : vector<16xi32>
        %shift_right_logical3A_262 = arith.constant 1 : i32
        %shift_right_logical3A_263 = vector.broadcast %shift_right_logical3A_262 : i32 to vector<16xi32>
        %shift_right_logical3A_264 = arith.shrui %add3A_261, %shift_right_logical3A_263 : vector<16xi32>
        %min3A_265 = arith.constant 99999 : i32
        %min3A_266 = vector.broadcast %min3A_265 : i32 to vector<16xi32>
        %min3A_267 = arith.minsi %shift_right_logical3A_264, %min3A_266 : vector<16xi32>
        %gather3A_268 = tpu.vector_load_idx %arg9[%min3A_267] : memref<100000xi32, #tpu.memory_space<vmem>>[vector<16xi32>], vector<16xi32>,
        %lt3A_269 = arith.cmpi slt, %gather3A_268, %add3A_36 : vector<16xi32>
        %add3A_270 = arith.constant 1 : i32
        %add3A_271 = vector.broadcast %add3A_270 : i32 to vector<16xi32>
        %add3A_272 = arith.addi %shift_right_logical3A_264, %add3A_271 : vector<16xi32>
        %select_n3A_273 = arith.select %lt3A_269, %add3A_272, %select_n3A_259 : vector<16xi1>, vector<16xi32>
        %select_n3A_274 = arith.select %lt3A_269, %select_n3A_260, %shift_right_logical3A_264 : vector<16xi1>, vector<16xi32>
        %mul3A_275 = arith.constant 16 : i32
        %mul3A_276 = arith.muli %scan3A_29, %mul3A_275 : i32
        %add3A_277 = arith.constant 16 : i32
        %add3A_278 = arith.addi %add3A_277, %mul3A_276 : i32
        %swap3A_279 = arith.index_cast %add3A_278 : i32 to index
        %swap3A_280 = tpu.vector_load %arg10[%swap3A_279] {strides = array<i32>} : memref<544xi32, #tpu.memory_space<vmem>>, vector<16xi32>,
        tpu.vector_store %arg10[%swap3A_279], %select_n3A_274 {strides = array<i32>} : memref<544xi32, #tpu.memory_space<vmem>>, vector<16xi32>,
      }
      %scan3A_22 = arith.constant 32 : i32
      %scan3A_23 = arith.constant 0 : i32
      %scan3A_24 = arith.constant 0 : i32
      %scan3A_25 = arith.constant 32 : i32
      %scan3A_26 = arith.addi %scan3A_24, %scan3A_25 : i32
      %scan3A_27 = arith.constant 1 : i32
      scf.for %scan3A_29 = %scan3A_24 to %scan3A_26 step %scan3A_27  : i32 {
        %mul3A_30 = arith.constant 16 : i32
        %mul3A_31 = arith.muli %scan3A_29, %mul3A_30 : i32
        %add3A_32 = arith.constant 16 : i32
        %add3A_33 = arith.addi %add3A_32, %mul3A_31 : i32
        %get3A = arith.index_cast %add3A_33 : i32 to index
        %get3A_34 = tpu.vector_load %arg10[%get3A] {strides = array<i32>} : memref<544xi32, #tpu.memory_space<vmem>>, vector<16xi32>,
        %mul3A_35 = arith.constant 16 : i32
        %mul3A_36 = arith.muli %scan3A_29, %mul3A_35 : i32
        %add3A_37 = arith.constant 15 : i32
        %add3A_38 = arith.addi %add3A_37, %mul3A_36 : i32
        %get3A_39 = arith.index_cast %add3A_38 : i32 to index
        %get3A_40 = tpu.vector_load %arg10[%get3A_39] {strides = array<i32>} : memref<544xi32, #tpu.memory_space<vmem>>, vector<16xi32>,
        %sub3A = arith.subi %get3A_34, %get3A_40 : vector<16xi32>
        %convert_element_type3A_41 = arith.sitofp %sub3A : vector<16xi32> to vector<16xf32>
        %mul3A_42 = arith.constant 16 : i32
        %mul3A_43 = arith.muli %scan3A_29, %mul3A_42 : i32
        %swap3A_44 = arith.index_cast %mul3A_43 : i32 to index
        %swap3A_45 = tpu.vector_load %arg11[%swap3A_44] {strides = array<i32>} : memref<512xf32, #tpu.memory_space<vmem>>, vector<16xf32>,
        tpu.vector_store %arg11[%swap3A_44], %convert_element_type3A_41 {strides = array<i32>} : memref<512xf32, #tpu.memory_space<vmem>>, vector<16xf32>,
      }
      %scan3A_28 = arith.constant 32 : i32
      "tpu.region"() ({
        %run_scoped3A = tpu.sem_alloc : memref<!tpu.dma_semaphore, #tpu.memory_space<semaphore_mem>>
        tpu.enqueue_dma source(%arg11 : memref<512xf32, #tpu.memory_space<vmem>>) target(%arg6 : memref<512xf32, #tpu.memory_space<hbm>>) target_semaphore(%run_scoped3A : memref<!tpu.dma_semaphore, #tpu.memory_space<semaphore_mem>>)
        tpu.wait_dma2 semaphore(%run_scoped3A : memref<!tpu.dma_semaphore, #tpu.memory_space<semaphore_mem>>) src(%arg11 : memref<512xf32, #tpu.memory_space<vmem>>) dst(%arg6 : memref<512xf32, #tpu.memory_space<hbm>>)
        tpu.yield
      }) : () -> ()
    } else {
    }
    %barrier3A_11 = arith.constant 0 : index
    tpu.barrier barrier_id(%barrier3A_11)
    %mul3A_12 = arith.constant 32 : i32
    %mul3A_13 = arith.muli %arg1, %mul3A_12 : i32
    %mul3A_14 = arith.constant 32 : i32
    %mul3A_15 = arith.muli %arg1, %mul3A_14 : i32
    "tpu.region"() ({
      %run_scoped3A = tpu.sem_alloc : memref<!tpu.dma_semaphore, #tpu.memory_space<semaphore_mem>>
      %dma_start3A = arith.constant 0 : i32
      %dma_start3A_16 = tpu.memref_slice %arg5[%arg0, %mul3A_15, %dma_start3A] : memref<2x512x128xf32, #tpu.memory_space<hbm>> -> memref<1x32x128xf32, #tpu.memory_space<hbm>>
      %dma_start3A_17 = tpu.memref_squeeze %dma_start3A_16 : memref<1x32x128xf32, #tpu.memory_space<hbm>> -> memref<32x128xf32, #tpu.memory_space<hbm>>
      %dma_start3A_18 = arith.constant 0 : i32
      %dma_start3A_19 = tpu.memref_slice %arg12[%mul3A_13, %dma_start3A_18] : memref<512x128xf32, #tpu.memory_space<vmem_shared>> -> memref<32x128xf32, #tpu.memory_space<vmem_shared>>
      tpu.enqueue_dma source(%dma_start3A_19 : memref<32x128xf32, #tpu.memory_space<vmem_shared>>) target(%dma_start3A_17 : memref<32x128xf32, #tpu.memory_space<hbm>>) target_semaphore(%run_scoped3A : memref<!tpu.dma_semaphore, #tpu.memory_space<semaphore_mem>>)
      %dma_wait3A = arith.constant 0 : i32
      %dma_wait3A_20 = tpu.memref_slice %arg5[%arg0, %mul3A_15, %dma_wait3A] : memref<2x512x128xf32, #tpu.memory_space<hbm>> -> memref<1x32x128xf32, #tpu.memory_space<hbm>>
      %dma_wait3A_21 = tpu.memref_squeeze %dma_wait3A_20 : memref<1x32x128xf32, #tpu.memory_space<hbm>> -> memref<32x128xf32, #tpu.memory_space<hbm>>
      %dma_wait3A_22 = arith.constant 0 : i32
      %dma_wait3A_23 = tpu.memref_slice %arg12[%mul3A_13, %dma_wait3A_22] : memref<512x128xf32, #tpu.memory_space<vmem_shared>> -> memref<32x128xf32, #tpu.memory_space<vmem_shared>>
      tpu.wait_dma2 semaphore(%run_scoped3A : memref<!tpu.dma_semaphore, #tpu.memory_space<semaphore_mem>>) src(%dma_wait3A_23 : memref<32x128xf32, #tpu.memory_space<vmem_shared>>) dst(%dma_wait3A_21 : memref<32x128xf32, #tpu.memory_space<hbm>>)
      tpu.yield
    }) : () -> ()
    return
  }
}

module attributes {stable_mosaic.version = 14 : i64} {
  func.func @body(%arg0: memref<2x512x128xf32, #tpu.memory_space<vmem>>, %arg1: memref<512xf32, #tpu.memory_space<vmem>>, %arg2: memref<128x128xf32, #tpu.memory_space<vmem>>, %arg3: memref<128xf32, #tpu.memory_space<vmem>>, %arg4: memref<512x128xf32, #tpu.memory_space<vmem>>) attributes {dimension_semantics = [], scalar_prefetch = 0 : i64, scratch_operands = 0 : i64, tpu.core_type = #tpu.core_type<tc>} {
    %get3A = arith.constant 0 : index
    %get3A_0 = arith.constant 0 : index
    %get3A_1 = arith.constant 0 : index
    %get3A_2 = vector.load %arg0[%get3A, %get3A_0, %get3A_1] : memref<2x512x128xf32, #tpu.memory_space<vmem>>, vector<1x512x128xf32>
    %get3A_3 = vector.shape_cast %get3A_2 : vector<1x512x128xf32> to vector<512x128xf32>
    %get3A_4 = arith.constant 1 : index
    %get3A_5 = arith.constant 0 : index
    %get3A_6 = arith.constant 0 : index
    %get3A_7 = vector.load %arg0[%get3A_4, %get3A_5, %get3A_6] : memref<2x512x128xf32, #tpu.memory_space<vmem>>, vector<1x512x128xf32>
    %get3A_8 = vector.shape_cast %get3A_7 : vector<1x512x128xf32> to vector<512x128xf32>
    %add3A = arith.addf %get3A_3, %get3A_8 : vector<512x128xf32>
    %get3A_9 = arith.constant 0 : index
    %get3A_10 = vector.load %arg1[%get3A_9] : memref<512xf32, #tpu.memory_space<vmem>>, vector<512xf32>
    %reshape3A = vector.shape_cast %get3A_10 : vector<512xf32> to vector<512x1xf32>
    %get3A_11 = arith.constant 0 : index
    %get3A_12 = vector.load %arg3[%get3A_11] : memref<128xf32, #tpu.memory_space<vmem>>, vector<128xf32>
    %reshape3A_13 = vector.shape_cast %get3A_12 : vector<128xf32> to vector<1x128xf32>
    %get3A_14 = arith.constant 0 : index
    %get3A_15 = arith.constant 0 : index
    %get3A_16 = vector.load %arg2[%get3A_14, %get3A_15] : memref<128x128xf32, #tpu.memory_space<vmem>>, vector<128x128xf32>
    %dot_general3A = arith.constant dense<0.000000e+00> : vector<512x128xf32>
    %dot_general3A_17 = tpu.matmul %add3A, %get3A_16, %dot_general3A {dimension_numbers = #tpu.dot_dimension_numbers<[1], [1], [0], [0], [0, 0, 1, 0], [], []>, transpose_lhs_hint = false} : vector<512x128xf32>, vector<128x128xf32>, vector<512x128xf32> -> vector<512x128xf32>
    %mul3A = vector.broadcast %reshape3A : vector<512x1xf32> to vector<512x128xf32>
    %mul3A_18 = vector.broadcast %reshape3A_13 : vector<1x128xf32> to vector<512x128xf32>
    %mul3A_19 = arith.mulf %mul3A, %mul3A_18 : vector<512x128xf32>
    %add3A_20 = arith.addf %dot_general3A_17, %mul3A_19 : vector<512x128xf32>
    %swap3A = arith.constant 0 : index
    %swap3A_21 = arith.constant 0 : index
    %swap3A_22 = vector.load %arg4[%swap3A, %swap3A_21] : memref<512x128xf32, #tpu.memory_space<vmem>>, vector<512x128xf32>
    tpu.vector_store %arg4[%swap3A, %swap3A_21], %add3A_20 {strides = array<i32>} : memref<512x128xf32, #tpu.memory_space<vmem>>, vector<512x128xf32>,
    return
  }
}

</mosaic_0001>

<sc_bundles>
// kernel: kernel.4.cloned.1.call-start
scs
__scs_entry_jumppad:
0x0: {  	(pc) =	sbr.rel $0x88, $3  }
0x1: {  	(tag) =	ssettag $0x0;
	lr =	simm.s32 $0x1  }
0x2: {  	[smem:$0x3F9D] =	sst lr;
	_ =	strace $0xD0000000  }
0x3: {  	_ = 	snop  }
0x4: {  	_ = 	snop  }
0x5: {  	_ = 	snop  }
0x6: {  	_ = 	snop  }
0x7: {  	_ = 	snop  }
__scs_overlays_trampoline_lowered:
0x8: {  	[smem:$0x3FAC] =	sst s0  }
0x9: {  	[smem:$0x3FAD] =	sst s1  }
0xa: {  	[smem:$0x3FAE] =	sst s2  }
0xb: {  	[smem:$0x3FAF] =	sst s3  }
0xc: {  	[smem:$0x3FB0] =	sst s4  }
0xd: {  	[smem:$0x3FB1] =	sst s5  }
0xe: {  	[smem:$0x3FB2] =	sst s6  }
0xf: {  	[smem:$0x3FB3] =	sst s7  }
0x10: {  	[smem:$0x3FB4] =	sst s8  }
0x11: {  	[smem:$0x3FB5] =	sst s9;
	s0 =	simm.s32 @!p0 $0x0  }
0x12: {  	s1 =	sld [smem:$0x3F9B];
	s0 =	simm.s32 @p0 $0x1  }
0x13: {  	[smem:$0x3FB6] =	sst s0;
	s0 =	simm.s32 @!p1 $0x0  }
0x14: {  	s2 =	sld [smem:$0x3F9A];
	s0 =	simm.s32 @p1 $0x1  }
0x15: {  	[smem:$0x3FB7] =	sst s0;
	s0 =	simm.s32 @!p2 $0x0  }
0x16: {  	s3 =	sld [smem:$0x3FDB];
	s0 =	simm.s32 @p2 $0x1  }
0x17: {  	s4 =	simm.s32 $0x1BF5;
	[smem:$0x3FB9] =	sst s0  }
0x18: {  	s0 =	sld [smem:$0x3F9C];
	_ =	swait.ge [sflag:s4], $0x0  }
0x19: {  	s7 =	sld [smem:$0x3F9D]  }
0x1a: {  	s8 =	sadd.s32 $0xFFFFE003, lr  }
0x1b: {  	s9 =	sadd.s32 $0xFFFFFEF7, lr;
	s5 =	simm.s32 $0xFFFFFFFF;
	p2 =	slt.u32 s8, $0xFFFFF086  }
0x1c: {  	p1 =	slt.u32 s9, $0xF7A;
	s5 =	simm.s32 @!p2 $0x0  }
0x1d: {  	s5 =	simm.s32 @p1 $0x1;
	p0 =	seq.s32 s7, s2  }
0x1e: {  	s7 =	smul.u32 @!p0 $0xF7A, s2;
	p2 =	seq.s32 @!p0 s5, $0x0  }
0x1f: {  	s9 =	smul.u32 $0xF7A, s1;
	s8 =	simm.s32 @!p0 $0x1BF5;
	p2 =	por !p2, p0  }
0x20: {  	[sflag:s8] =	ssyncset.s32 @!p0 $0xFFFFF086;
	s6 =	sadd.s32 @!p0 s3, s7;
	s7 =	simm.s32 @!p0 $0x108  }
0x21: {  	s3 =	sadd.s32 s3, s9;
	s6 =	sadd.s32 @!p0 $0x88, s6;
	s7 =	simm.s32 @p2 $0x1082  }
0x22: {  	[simem:s7], [sflag:s8] =	dma.local @!p0 [hbm:s6], $0xF7A  }
0x23: {  	s9 =	sor.u32 $0xD0000000, s2;
	s6 =	simm.s32 $0x108;
	_ =	swait.ge @!p0 [sflag:s8], $0x0  }
0x24: {  	s3 =	sadd.s32 $0x88, s3;
	s6 =	simm.s32 @!p1 $0x1082;
	[sflag:s4] =	ssyncset.s32 $0xFFFFF086  }
0x25: {  	[simem:s6], [sflag:s4] =	dma.local [hbm:s3], $0xF7A  }
0x26: {  	[smem:$0x3F9D] =	sst s1;
	(tag) =	ssettag s2;
	_ =	strace s9  }
0x27: {  	s1 =	sld [smem:$0x3FAD]  }
0x28: {  	s2 =	sld [smem:$0x3FAE]  }
0x29: {  	s4 =	sld [smem:$0x3FB0]  }
0x2a: {  	p0 =	seq.s32 s5, $0x0;
	s5 =	sld [smem:$0x3FB1]  }
0x2b: {  	s6 =	sld [smem:$0x3FB2]  }
0x2c: {  	s7 =	sld [smem:$0x3FB3]  }
0x2d: {  	s3 =	simm.s32 $0x108;
	s8 =	sld [smem:$0x3FB4]  }
0x2e: {  	s3 =	simm.s32 @!p0 $0x1082;
	s9 =	sld [smem:$0x3FB5]  }
0x2f: {  	lr =	sadd.s32 s0, s3;
	s0 =	sld [smem:$0x3FAC]  }
0x30: {  	s3 =	sld [smem:$0x3FAF]  }
0x31: {  	[smem:$0x3FB8] =	sst s10  }
0x32: {  	s10 =	sld [smem:$0x3FB6];
	_ =	sdelay $0x3  }
0x33: {  	p0 =	seq.s32 s10, $0x1;
	s10 =	sld [smem:$0x3FB8];
	_ =	sdelay $0x3  }
0x34: {  	[smem:$0x3FB8] =	sst s10  }
0x35: {  	s10 =	sld [smem:$0x3FB7];
	_ =	sdelay $0x3  }
0x36: {  	p1 =	seq.s32 s10, $0x1;
	s10 =	sld [smem:$0x3FB8];
	_ =	sdelay $0x3  }
0x37: {  	[smem:$0x3FB8] =	sst s10  }
0x38: {  	s10 =	sld [smem:$0x3FB9]  }
0x39: {  	_ = 	snop;
	(pc) =	sbr.ind lr, $3  }
0x3a: {  	_ = 	snop  }
0x3b: {  	_ = 	snop  }
0x3c: {  	p2 =	seq.s32 s10, $0x1;
	s10 =	sld [smem:$0x3FB8]  }
0x3d: {  	_ =	shalt  }
0x3e: {  	_ =	shalt  }
0x3f: {  	_ =	shalt  }
0x40: {  	_ =	shalt  }
0x41: {  	_ =	shalt  }
0x42: {  	_ =	shalt  }
0x43: {  	_ =	shalt  }
0x44: {  	_ =	shalt  }
0x45: {  	_ =	shalt  }
0x46: {  	_ =	shalt  }
0x47: {  	_ =	shalt  }
0x48: {  	_ =	shalt  }
0x49: {  	_ =	shalt  }
0x4a: {  	_ =	shalt  }
0x4b: {  	_ =	shalt  }
0x4c: {  	_ =	shalt  }
0x4d: {  	_ =	shalt  }
0x4e: {  	_ =	shalt  }
0x4f: {  	_ =	shalt  }
0x50: {  	_ =	shalt  }
0x51: {  	_ =	shalt  }
0x52: {  	_ =	shalt  }
0x53: {  	_ =	shalt  }
0x54: {  	_ =	shalt  }
0x55: {  	_ =	shalt  }
0x56: {  	_ =	shalt  }
0x57: {  	_ =	shalt  }
0x58: {  	_ =	shalt  }
0x59: {  	_ =	shalt  }
0x5a: {  	_ =	shalt  }
0x5b: {  	_ =	shalt  }
0x5c: {  	_ =	shalt  }
0x5d: {  	_ =	shalt  }
0x5e: {  	_ =	shalt  }
0x5f: {  	_ =	shalt  }
0x60: {  	_ =	shalt  }
0x61: {  	_ =	shalt  }
0x62: {  	_ =	shalt  }
0x63: {  	_ =	shalt  }
0x64: {  	_ =	shalt  }
0x65: {  	_ =	shalt  }
0x66: {  	_ =	shalt  }
0x67: {  	_ =	shalt  }
0x68: {  	_ =	shalt  }
0x69: {  	_ =	shalt  }
0x6a: {  	_ =	shalt  }
0x6b: {  	_ =	shalt  }
0x6c: {  	_ =	shalt  }
0x6d: {  	_ =	shalt  }
0x6e: {  	_ =	shalt  }
0x6f: {  	_ =	shalt  }
0x70: {  	_ =	shalt  }
0x71: {  	_ =	shalt  }
0x72: {  	_ =	shalt  }
0x73: {  	_ =	shalt  }
0x74: {  	_ =	shalt  }
0x75: {  	_ =	shalt  }
0x76: {  	_ =	shalt  }
0x77: {  	_ =	shalt  }
0x78: {  	_ =	shalt  }
0x79: {  	_ =	shalt  }
0x7a: {  	_ =	shalt  }
0x7b: {  	_ =	shalt  }
0x7c: {  	_ =	shalt  }
0x7d: {  	_ =	shalt  }
0x7e: {  	_ =	shalt  }
0x7f: {  	_ =	shalt  }
0x80: {  	_ =	shalt  }
0x81: {  	_ =	shalt  }
0x82: {  	_ =	shalt  }
0x83: {  	_ =	shalt  }
0x84: {  	_ =	shalt  }
0x85: {  	_ =	shalt  }
0x86: {  	_ =	shalt  }
0x87: {  	_ =	shalt  }
.Lfunc_end0:
.L_simem_size_0:
called_computation_lowered:
.L_overlay_start_0:
0x88: {  	s2 =	sld [smem:$0x3FD9]  }
0x89: {  	s3 =	sld [smem:$0x3FFE];
	_ =	sdelay $0x1  }
0x8a: {  	s1 =	srdreg.scid  }
0x8b: {  	s0 =	sand.u32 $0x1, s1  }
0x8c: {  	s17 =	sshll.u32 s0, $0xA;
	s2 =	sadd.s32 s3, s2  }
0x8d: {  	s2 =	sadd.s32 s2, s17  }
0x8e: {  	[smem:$0x3FC4] =	sst s2  }
0x8f: {  	_ = 	snop  }
0x90: {  	s2 =	sld [smem:$0x3FC9]  }
0x91: {  	s18 =	sld [smem:$0x3FC8]  }
0x92: {  	s4 =	sld [smem:$0x3FD0];
	(tm) =	ssettm $0x1  }
0x93: {  	s5 =	sld [smem:$0x3FFB];
	_ =	sdelay $0x3  }
0x94: {  	_ =	strace s5  }
0x95: {  	s5 =	sld [smem:$0x3FFC];
	_ =	sdelay $0x3  }
0x96: {  	_ =	strace s5  }
0x97: {  	s5 =	sld [smem:$0x3FFD];
	_ =	sdelay $0x3  }
0x98: {  	_ =	strace s5  }
0x99: {  	_ =	strace $0x8FFFFFFF  }
0x9a: {  	s19 =	sld [smem:$0x3FDB];
	_ =	sdelay $0x1  }
0x9b: {  	s6 =	simm.s32 $_scs_section_size  }
0x9c: {  	s7 =	simm.s32 $_size__tile_overlayer_lowered;
	s8 =	simm.s32 $_tile_overlayer_lowered  }
0x9d: {  	s22 =	simm.s32 $0x1BFF;
	s21 =	sshll.u32 s8, $0x1;
	s5 =	sadd.s32 s6, s19  }
0x9e: {  	s9 =	simm.s32 $0x0;
	s20 =	sshll.u32 s7, $0x1;
	s7 =	sadd.s32 s21, s5  }
0x9f: {  	[timem:s9], [sflag:s22] =	dma.local [hbm:s7], s20  }
0xa0: {  	_ =	swait.ge [sflag:s22], s20  }
0xa1: {  	s6 =	ssub.s32 $0x0, s20;
	[sflag:s22] =	ssyncset.done $0x0  }
0xa2: {  	[sflag:s22] =	ssyncadd.s32 s6;
	_ =	sdelay $0x1  }
0xa3: {  	s23 =	simm.s32 $0x1B8B  }
0xa4: {  	_ =	swait.ge [sflag:s23], $0x1  }
0xa5: {  	[sflag:s23] =	ssyncset.done $0x0  }
0xa6: {  	s25 =	simm.s32 $0x1B8E;
	s24 =	sld [smem:$0x3FFE];
	[sflag:s23] =	ssyncadd.s32 $0xFFFFFFFF  }
0xa7: {  	s26 =	simm.s32 $execute0_lowered;
	[smem:$0x3FD2] =	sst s25  }
0xa8: {  	s7 =	sshll.u32 s26, $0x1;
	_ =	strace $0x80000046;
	[dreg:$0x1] =	wrdreg $0xFFFFFFFF  }
0xa9: {  	s28 =	simm.s32 $_size_execute0_lowered;
	s5 =	sadd.s32 s5, s7;
	[dreg:$0x0] =	wrdreg $0x0  }
0xaa: {  	s7 =	sshll.u32 s28, $0x1;
	[dreg:$0x2] =	wrdreg s5  }
0xab: {  	[dreg:$0x3] =	wrdreg s7  }
0xac: {  	[dreg:$0x4] =	wrdreg $0xC0  }
0xad: {  	_ =	task [dreg:s9], $0x5FFFF  }
0xae: {  	[dreg:$0x1] =	wrdreg $0xFFFFFFFF  }
0xaf: {  	[dreg:$0x0] =	wrdreg $0x60  }
0xb0: {  	[dreg:$0x2] =	wrdreg s2  }
0xb1: {  	[dreg:$0x3] =	wrdreg s18  }
0xb2: {  	[dreg:$0x4] =	wrdreg s4  }
0xb3: {  	[dreg:$0x5] =	wrdreg s24  }
0xb4: {  	[dreg:$0x6] =	wrdreg $0x1DC800  }
0xb5: {  	[dreg:$0x7] =	wrdreg $0x9  }
0xb6: {  	_ =	task.clear_ibuf [dreg:s9], $0x8FFFF;
	_ =	strace $0x90000046  }
0xb7: {  	s29 =	simm.s32 $0x9;
	_ =	strace $0x80000048  }
0xb8: {  	_ =	swait.ge [sflag:s29], $0x1  }
0xb9: {  	[sflag:s29] =	ssyncadd.s32 $0xFFFFFFFF  }
0xba: {  	_ =	strace $0x90000048  }
0xbb: {  	_ =	sfence  }
0xbc: {  	s30 =	sld [smem:$0x0];
	_ =	sdelay $0x2  }
0xbd: {  	s31 =	sshll.u32 s1, $0xD;
	s1 =	sshrl.u32 s1, $0x2  }
0xbe: {  	s3 =	sand.u32 $0x4000, s31;
	s1 =	sadd.s32 s1, s30  }
0xbf: {  	s0 =	sor.u32 s3, s0;
	s1 =	sshll.u32 s1, $0x11  }
0xc0: {  	s0 =	sor.u32 s1, s0  }
0xc1: {  	s0 =	sadd.s32 $0x8F2B, s0  }
0xc2: {  	[sflag:s0] =	ssyncadd.remote.s32 $0x1  }
0xc3: {  	_ =	sfence.sel $0xFFFF  }
0xc4: {  	[dreg:$0x0] =	wrdreg $0xFFFFFFFF;
	(pc) =	sbr.abs _section_cstart, $3  }
0xc5: {  	[dreg:$0x1] =	wrdreg $0xFFFFFFFF  }
0xc6: {  	_ =	task.clear_ibuf [dreg:s9], $0x2FFFF;
	_ =	strace $0x9FFFFFFF  }
0xc7: {  	(tm) =	ssettm $0x7FFFFFFF  }
tec
execute0_lowered:
.L_overlay_start_1:
0x0: {  	(tag) =	ssettag $0x1  }
0x1: {  	s11 =	rddreg [dreg:$0x0]  }
0x2: {  	s1 =	rddreg [dreg:$0x1]  }
0x3: {  	s6 =	rddreg [dreg:$0x2]  }
0x4: {  	s5 =	rddreg [dreg:$0x3]  }
0x5: {  	s3 =	rddreg [dreg:$0x4];
	s4 =	simm.s32 $0x0;
	s0 =	stileid.u32  }
0x6: {  	s7 =	srdreg.scid;
	s21 =	simm.s32 $0x0;
	[smem:$0x7FF] =	sst s4  }
0x7: {  	s8 =	sshll.u32 s0, $0x9;
	s12 =	sand.u32 $0x1, s7;
	s9 =	sshll.u32 s0, $0x1  }
0x8: {  	s24 =	sshll.u32 s0, $0xC;
	s25 =	sshll.u32 s0, $0x6;
	s15 =	smul.u32 $0xA00, s0  }
0x9: {  	s20 =	smul.u32 $0x14, s0;
	_ =	strace $0x80000047;
	s13 =	sadd.s32 s8, s5  }
0xa: {  	s7 =	ssub.s32 $0x2, s12;
	s5 =	sadd.s32 $0x5000, s5;
	s18 =	smul.u32 $0x500, s12  }
0xb: {  	s16 =	sor.u32 s12, s9;
	s17 =	sadd.s32 s24, s3;
	s28 =	smul.u32 $0xA, s12  }
0xc: {  	s6 =	sadd.s32 s6, s8;
	s19 =	sshll.u32 s12, $0xD;
	s9 =	smul.u32 $0x500, s16  }
0xd: {  	s10 =	sshrl.u32 s7, $0x1;
	s26 =	smul.u32 $0xA, s16;
	s13 =	sadd.s32 s19, s13  }
0xe: {  	s15 =	sadd.s32 s15, s11;
	s30 =	sadd.s32 s20, s1;
	p0 =	seq.s32 s16, $0x1F  }
0xf: {  	s19 =	simm.s32 $0x1DA80;
	s20 =	simm.s32 $0x5000;
	s14 =	ssub.s32 s7, s10  }
.Ltmp0:
0x10: {  	v2 =	vimm.s32 $0xC350;
	s7 =	sor.u32 $0x1C03, s25;
	s10 =	ssub.s32 $0x4E2, s16;
	(pc) =	sbr.rel .LBB2_1-.Ltmp0, $4  }
0x11: {  	s29 =	sadd.s32 s18, s15;
	s31 =	sadd.s32 s28, s30;
	s15 =	sadd.s32 $0x1F, s16  }
0x12: {  	s16 =	sshrl.u32 s17, $0x3;
	s17 =	simm.s32 $0x3;
	s18 =	simm.s32 $0x5100  }
0x13: {  	v1 =	vlaneseq.u32;
	s8 =	sadd.s32 s11, s9;
	s9 =	sadd.s32 s1, s26;
	s11 =	sadd.s32 $0x1000, s13  }
0x14: {  	v0 =	vimm.s32 $0x0;
	v3 =	vimm.s32 $0x61A8;
	v1 =	vadd.s32 $0x1, v1;
	s12 =	smax.u32 s14, $0x1;
	s13 =	sadd.s32 $0x9B00, s29;
	s14 =	sadd.s32 $0x136, s31  }
.LBB2_9:
0x15: {  	v4 =	vsub.s32 v4, v5  }
0x16: {  	v4 =	vcvt.s32.f32 v4;
	_ =	sdelay $0x1  }
0x17: {  	[tilespmem:s22+$0x1DA80] =	vst v4  }
0x18: {  	[hbm4b:s5+s4] =	stream.linear.scatter [tilespmem:s19], [sflag:$0x3], $0x200, $0x38;
	[tilespmem:$0x1EC80] =	vst v63  }
0x19: {  	_ =	swait.ge [sflag:s17], $0x200  }
0x1a: {  	[sflag:s17] =	ssyncset.done $0x0  }
0x1b: {  	[sflag:s17] =	ssyncadd.s32 $0xFFFFFE00  }
.LBB2_10:
0x1c: {  	s21 =	sadd.s32 $0x1, s21  }
0x1d: {  	p1 =	sne.s32 s21, s12  }
.Ltmp1:
0x1e: {  	[bflag:$0x0] =	sbarrier.arrive $0xFFFF;
	(pc) =	sbr.rel @!p1 .LBB2_11-.Ltmp1, $4  }
0x1f: {  	[hbm:s11], [sflag:s7] =	dma.local [spmem:s16], $0x200  }
0x20: {  	_ =	swait.ge [sflag:s17], $0x200  }
0x21: {  	[sflag:s17] =	ssyncset.done $0x0  }
0x22: {  	[sflag:s17] =	ssyncadd.s32 $0xFFFFFE00  }
.LBB2_1:
0x23: {  	[spmem:s16], [sflag:s7] =	dma.local [hbm:s6], $0x200  }
.Ltmp2:
0x24: {  	_ =	swait.ge [sflag:s17], $0x200;
	(pc) =	sbr.rel @!p0 .LBB2_2-.Ltmp2, $4  }
0x25: {  	[sflag:s17] =	ssyncset.done $0x0  }
0x26: {  	[sflag:s17] =	ssyncadd.s32 $0xFFFFFE00  }
0x27: {  	[bflag:$0x0] =	sbarrier.arrive $0xFFFF  }
0x28: {  	s22 =	simm.s32 $0x0  }
0x29: {  	[tilespmem:s18], [sflag:$0x3] =	stream.linear.gather [hbm4b:s1+s22], $0x18700, $0x38;
	[tilespmem:$0x1EC80] =	vst v63  }
0x2a: {  	_ =	swait.ge [sflag:s17], $0x18700  }
0x2b: {  	[sflag:s17] =	ssyncset.done $0x0  }
0x2c: {  	[sflag:s17] =	ssyncadd.s32 $0xFFFE7900  }
0x2d: {  	s23 =	simm.s32 $0x1D810;
	[tilespmem:$0x1D800] =	vst v0  }
.LBB2_6:
0x2e: {  	v4 =	vld.idx.msk [tilespmem:v2+s18+$0x0], $0xffff;
	_ =	sdelay $0x3  }
0x2f: {  	v5 =	vadd.s32 s22, v1  }
0x30: {  	vm0 =	vlt.s32 v4, v5  }
0x31: {  	v4 =	vsel vm0, $0x124F8, v3;
	_ =	sdelay $0x4  }
0x32: {  	v6 =	vld.idx.msk [tilespmem:v4+s18+$0x0], $0xffff;
	_ =	sdelay $0x4  }
0x33: {  	v7 =	vsel vm0, $0x186A0, v2;
	vm1 =	vlt.s32 v6, v5  }
0x34: {  	v36 =	vsel vm0, $0xC351, v0;
	v8 =	vor.u32 $0x1, v4;
	v4 =	vsel vm1, v7, v4  }
0x35: {  	v6 =	vsel vm1, v8, v36;
	v7 =	vadd.s32 $0xFFFFFFFF, v4  }
0x36: {  	v8 =	vxor.u32 v7, v6  }
0x37: {  	v7 =	vor.u32 v7, v6;
	v8 =	vshrl.u32 v8, $0x1  }
0x38: {  	v7 =	vsub.s32 v7, v8;
	_ =	sdelay $0x4  }
0x39: {  	v8 =	vld.idx.msk [tilespmem:v7+s18+$0x0], $0xffff;
	_ =	sdelay $0x4  }
0x3a: {  	v37 =	vor.u32 $0x1, v7;
	vm13 =	vlt.s32 v8, v5  }
0x3b: {  	v6 =	vsel vm13, v37, v6;
	v4 =	vsel vm13, v4, v7  }
0x3c: {  	v7 =	vxor.u32 v4, v6  }
0x3d: {  	v8 =	vand.u32 v4, v6;
	v7 =	vshrl.u32 v7, $0x1  }
0x3e: {  	v7 =	vadd.s32 v7, v8;
	_ =	sdelay $0x4  }
0x3f: {  	v8 =	vld.idx.msk [tilespmem:v7+s18+$0x0], $0xffff;
	_ =	sdelay $0x4  }
0x40: {  	v38 =	vadd.s32 $0x1, v7;
	vm14 =	vlt.s32 v8, v5  }
0x41: {  	v6 =	vsel vm14, v38, v6;
	v4 =	vsel vm14, v4, v7  }
0x42: {  	v7 =	vadd.s32 v4, v6  }
0x43: {  	v7 =	vshrl.u32 v7, $0x1;
	_ =	sdelay $0x4  }
0x44: {  	v39 =	vld.idx.msk [tilespmem:v7+s18+$0x0], $0xffff;
	_ =	sdelay $0x4  }
0x45: {  	v40 =	vadd.s32 $0x1, v7;
	vm15 =	vlt.s32 v39, v5  }
0x46: {  	v6 =	vsel vm15, v40, v6;
	v4 =	vsel vm15, v4, v7  }
0x47: {  	v7 =	vadd.s32 v4, v6  }
0x48: {  	v7 =	vshrl.u32 v7, $0x1;
	_ =	sdelay $0x4  }
0x49: {  	v41 =	vld.idx.msk [tilespmem:v7+s18+$0x0], $0xffff;
	_ =	sdelay $0x4  }
0x4a: {  	v42 =	vadd.s32 $0x1, v7;
	vm4 =	vlt.s32 v41, v5  }
0x4b: {  	v6 =	vsel vm4, v42, v6;
	v4 =	vsel vm4, v4, v7  }
0x4c: {  	v7 =	vadd.s32 v4, v6  }
0x4d: {  	v7 =	vshrl.u32 v7, $0x1;
	_ =	sdelay $0x4  }
0x4e: {  	v43 =	vld.idx.msk [tilespmem:v7+s18+$0x0], $0xffff;
	_ =	sdelay $0x4  }
0x4f: {  	v44 =	vadd.s32 $0x1, v7;
	vm5 =	vlt.s32 v43, v5  }
0x50: {  	v6 =	vsel vm5, v44, v6;
	v4 =	vsel vm5, v4, v7  }
0x51: {  	v7 =	vadd.s32 v4, v6  }
0x52: {  	v7 =	vshrl.u32 v7, $0x1;
	_ =	sdelay $0x4  }
0x53: {  	v45 =	vld.idx.msk [tilespmem:v7+s18+$0x0], $0xffff;
	_ =	sdelay $0x4  }
0x54: {  	v46 =	vadd.s32 $0x1, v7;
	vm6 =	vlt.s32 v45, v5  }
0x55: {  	v6 =	vsel vm6, v46, v6;
	v4 =	vsel vm6, v4, v7  }
0x56: {  	v7 =	vadd.s32 v4, v6  }
0x57: {  	v7 =	vshrl.u32 v7, $0x1;
	_ =	sdelay $0x4  }
0x58: {  	v47 =	vld.idx.msk [tilespmem:v7+s18+$0x0], $0xffff;
	_ =	sdelay $0x4  }
0x59: {  	v48 =	vadd.s32 $0x1, v7;
	vm7 =	vlt.s32 v47, v5  }
0x5a: {  	v6 =	vsel vm7, v48, v6;
	v4 =	vsel vm7, v4, v7  }
0x5b: {  	v7 =	vadd.s32 v4, v6  }
0x5c: {  	v7 =	vshrl.u32 v7, $0x1;
	_ =	sdelay $0x4  }
0x5d: {  	v49 =	vld.idx.msk [tilespmem:v7+s18+$0x0], $0xffff;
	_ =	sdelay $0x4  }
0x5e: {  	v50 =	vadd.s32 $0x1, v7;
	vm8 =	vlt.s32 v49, v5  }
0x5f: {  	v6 =	vsel vm8, v50, v6;
	v4 =	vsel vm8, v4, v7  }
0x60: {  	v7 =	vadd.s32 v4, v6  }
0x61: {  	v7 =	vshrl.u32 v7, $0x1;
	_ =	sdelay $0x4  }
0x62: {  	v51 =	vld.idx.msk [tilespmem:v7+s18+$0x0], $0xffff;
	_ =	sdelay $0x4  }
0x63: {  	v52 =	vadd.s32 $0x1, v7;
	vm9 =	vlt.s32 v51, v5  }
0x64: {  	v6 =	vsel vm9, v52, v6;
	v4 =	vsel vm9, v4, v7  }
0x65: {  	v7 =	vadd.s32 v4, v6  }
0x66: {  	v7 =	vshrl.u32 v7, $0x1;
	_ =	sdelay $0x4  }
0x67: {  	v53 =	vld.idx.msk [tilespmem:v7+s18+$0x0], $0xffff;
	_ =	sdelay $0x4  }
0x68: {  	v54 =	vadd.s32 $0x1, v7;
	vm10 =	vlt.s32 v53, v5  }
0x69: {  	v6 =	vsel vm10, v54, v6;
	v4 =	vsel vm10, v4, v7  }
0x6a: {  	v7 =	vadd.s32 v4, v6  }
0x6b: {  	v7 =	vshrl.u32 v7, $0x1;
	_ =	sdelay $0x4  }
0x6c: {  	v55 =	vld.idx.msk [tilespmem:v7+s18+$0x0], $0xffff;
	_ =	sdelay $0x4  }
0x6d: {  	v56 =	vadd.s32 $0x1, v7;
	vm11 =	vlt.s32 v55, v5  }
0x6e: {  	v6 =	vsel vm11, v56, v6;
	v4 =	vsel vm11, v4, v7  }
0x6f: {  	v7 =	vadd.s32 v4, v6  }
0x70: {  	v7 =	vshrl.u32 v7, $0x1;
	_ =	sdelay $0x4  }
0x71: {  	v57 =	vld.idx.msk [tilespmem:v7+s18+$0x0], $0xffff;
	_ =	sdelay $0x4  }
0x72: {  	v58 =	vadd.s32 $0x1, v7;
	vm12 =	vlt.s32 v57, v5  }
0x73: {  	v6 =	vsel vm12, v58, v6;
	v4 =	vsel vm12, v4, v7  }
0x74: {  	v7 =	vadd.s32 v4, v6  }
0x75: {  	v7 =	vshrl.u32 v7, $0x1;
	_ =	sdelay $0x4  }
0x76: {  	v59 =	vld.idx.msk [tilespmem:v7+s18+$0x0], $0xffff;
	_ =	sdelay $0x4  }
0x77: {  	v60 =	vadd.s32 $0x1, v7;
	vm13 =	vlt.s32 v59, v5  }
0x78: {  	v6 =	vsel vm13, v60, v6;
	v4 =	vsel vm13, v4, v7  }
0x79: {  	v7 =	vadd.s32 v4, v6  }
0x7a: {  	v7 =	vshrl.u32 v7, $0x1;
	_ =	sdelay $0x4  }
0x7b: {  	v61 =	vld.idx.msk [tilespmem:v7+s18+$0x0], $0xffff;
	_ =	sdelay $0x4  }
0x7c: {  	v62 =	vadd.s32 $0x1, v7;
	vm14 =	vlt.s32 v61, v5  }
0x7d: {  	v6 =	vsel vm14, v62, v6;
	v4 =	vsel vm14, v4, v7  }
0x7e: {  	v6 =	vadd.s32 v4, v6  }
0x7f: {  	v6 =	vshrl.u32 v6, $0x1  }
0x80: {  	v63 =	vmin.u32 v6, $0x1869F;
	_ =	sdelay $0x4  }
0x81: {  	v7 =	vld.idx.msk [tilespmem:v63+s18+$0x0], $0xffff;
	_ =	sdelay $0x1  }
0x82: {  	p1 =	sne.s32 s22, $0x1F0  }
.Ltmp3:
0x83: {  	_ = 	snop;
	(pc) =	sbr.rel @p1 .LBB2_6-.Ltmp3, $4  }
0x84: {  	_ = 	snop  }
0x85: {  	vm15 =	vlt.s32 v7, v5  }
0x86: {  	v4 =	vsel vm15, v4, v6  }
0x87: {  	s22 =	sadd.s32 $0x10, s22;
	[tilespmem:s23+$0x0] =	vst v4;
	s23 =	sadd.s32 $0x10, s23  }
0x88: {  	s22 =	simm.s32 $0x0  }
0x89: {  	v4 =	vld [tilespmem:s22+$0x1D810]  }
0x8a: {  	v5 =	vld [tilespmem:s22+$0x1D80F];
	_ =	sdelay $0x1  }
0x8b: {  	s23 =	simm.s32 $0x40  }
.LBB2_8:
0x8c: {  	p1 =	sne.s32 s23, $0x7C0  }
.Ltmp4:
0x8d: {  	s0 =	sshra.s32 s23, $0x2;
	(pc) =	sbr.rel @p1 .LBB2_8-.Ltmp4, $3  }
0x8e: {  	s23 =	sadd.s32 $0x40, s23;
	v6 =	vsub.s32 v4, v5;
	v4 =	vld [tilespmem:s0+$0x1D810]  }
0x8f: {  	v6 =	vcvt.s32.f32 v6;
	v5 =	vld [tilespmem:s0+$0x1D80F];
	_ =	sdelay $0x1  }
0x90: {  	[tilespmem:s22+$0x1DA80] =	vst v6;
	s22 =	smov.u32 s0  }
.Ltmp5:
0x91: {  	_ = 	snop;
	(pc) =	sbr.rel .LBB2_9-.Ltmp5, $1  }
0x92: {  	_ =	sdelay $0x3  }
.LBB2_2:
0x93: {  	[tilespmem:s22], [sflag:$0x1] =	stream.linear.gather [hbm4b:s8+s22], $0x2800, $0x38;
	[tilespmem:$0x1EC80] =	vst v63  }
0x94: {  	s23 =	sadd.s32 $0x0, s15  }
0x95: {  	s24 =	simm.s32 $0x1;
	p2 =	sgt.u32 s23, $0x4E1  }
0x96: {  	s23 =	sand.u32 @!p2 $0x1, s24  }
0x97: {  	s24 =	smul.u32 @!p2 $0xA000, s23  }
0x98: {  	[tilespmem:s20], [sflag:$0x2] =	stream.linear.gather [hbm4b:s9+s22], $0x50, $0x38;
	[tilespmem:$0x1EC80] =	vst v63  }
0x99: {  	s22 =	sshrl.u32 @!p2 s24, $0x2;
	s24 =	simm.s32 @!p2 $0x0  }
0x9a: {  	[tilespmem:s22], [sflag:$0x1] =	stream.linear.gather @!p2 [hbm4b:s13+s24], $0x2800, $0x38;
	[tilespmem:$0x1EC80] =	vst v63  }
0x9b: {  	p1 =	sle.u32 s10, $0x0;
	s22 =	sshll.u32 @!p2 s23, $0x7  }
0x9c: {  	s23 =	simm.s32 @!p1 $0x1;
	s22 =	sor.u32 @!p2 $0x5000, s22  }
0x9d: {  	[tilespmem:s22], [sflag:$0x2] =	stream.linear.gather @!p2 [hbm4b:s14+s24], $0x50, $0x38;
	[tilespmem:$0x1EC80] =	vst v63  }
0x9e: {  	s30 =	simm.s32 $0x0;
	_ =	swait.ge @!p1 [sflag:s23], $0x2800  }
0x9f: {  	s25 =	simm.s32 $0x3E;
	s31 =	sadd.s32 $0x1F, s15;
	[sflag:s23] =	ssyncset.done @!p1 $0x0  }
0xa0: {  	s28 =	simm.s32 @!p1 $0x2;
	s24 =	sand.u32 $0x1, s30;
	[sflag:s23] =	ssyncadd.s32 @!p1 $0xFFFFD800  }
0xa1: {  	s29 =	simm.s32 @!p1 $0x50;
	s26 =	smul.u32 @!p1 $0xA000, s24;
	_ =	swait.ge @!p1 [sflag:s28], $0x50  }
0xa2: {  	s22 =	simm.s32 $0x1F;
	s23 =	sshll.u32 @!p1 s24, $0x7;
	[sflag:s28] =	ssyncset.done @!p1 $0x0  }
0xa3: {  	s24 =	sshrl.u32 @!p1 s26, $0x2;
	s23 =	sor.u32 @!p1 $0x5000, s23;
	[sflag:s28] =	ssyncadd.s32 @!p1 $0xFFFFFFB0  }
0xa4: {  	[spmem:s3] =	stream.indirect.scatter.add.f32 @!p1 [tilespmem:s24], [sflag:$0x3], $0x80, s23, s29, $0xb8;
	[tilespmem:$0x1EC80] =	vst v63  }
0xa5: {  	p2 =	sgt.u32 s31, $0x4E1;
	s26 =	sadd.s32 $0x9B00, s13;
	s23 =	simm.s32 $0x2  }
0xa6: {  	s28 =	simm.s32 @!p1 $0x3;
	s24 =	sadd.s32 $0x136, s14;
	s29 =	sand.u32 @!p2 $0x1, s23  }
.LBB2_3:
0xa7: {  	s30 =	smul.u32 @!p2 $0xA000, s29;
	s29 =	sshll.u32 @!p2 s29, $0x7;
	_ =	swait.ge @!p1 [sflag:s28], $0x2800  }
0xa8: {  	s31 =	smov.u32 s25;
	s25 =	sadd.s32 $0x1F, s25;
	[sflag:s28] =	ssyncset.done @!p1 $0x0  }
0xa9: {  	s0 =	simm.s32 @!p2 $0x0;
	s30 =	sshrl.u32 @!p2 s30, $0x2;
	[sflag:s28] =	ssyncadd.s32 @!p1 $0xFFFFD800  }
0xaa: {  	[tilespmem:s30], [sflag:$0x1] =	stream.linear.gather @!p2 [hbm4b:s26+s0], $0x2800, $0x38;
	[tilespmem:$0x1EC80] =	vst v63  }
0xab: {  	s29 =	sor.u32 @!p2 $0x5000, s29;
	s28 =	sadd.s32 $0xFFFFFFFF, s23;
	p1 =	sge.u32 s22, s10  }
0xac: {  	p3 =	seq.s32 s25, $0x4F7;
	s22 =	sand.u32 $0x1, s28;
	s28 =	simm.s32 @!p1 $0x1  }
0xad: {  	s30 =	smul.u32 @!p1 $0xA000, s22;
	s2 =	sshll.u32 @!p1 s22, $0x7;
	s22 =	smov.u32 s31  }
0xae: {  	[tilespmem:s29], [sflag:$0x2] =	stream.linear.gather @!p2 [hbm4b:s24+s0], $0x50, $0x38;
	[tilespmem:$0x1EC80] =	vst v63  }
0xaf: {  	s0 =	sshrl.u32 @!p1 s30, $0x2;
	s30 =	simm.s32 @!p1 $0x2;
	_ =	swait.ge @!p1 [sflag:s28], $0x2800  }
0xb0: {  	s2 =	sor.u32 @!p1 $0x5000, s2;
	s24 =	sadd.s32 $0x136, s24;
	[sflag:s28] =	ssyncset.done @!p1 $0x0  }
.Ltmp6:
0xb1: {  	s23 =	sadd.s32 $0x1, s23;
	[sflag:s28] =	ssyncadd.s32 @!p1 $0xFFFFD800;
	(pc) =	sbr.rel @!p3 .LBB2_3-.Ltmp6, $4  }
0xb2: {  	s31 =	simm.s32 @!p1 $0x50;
	s28 =	sadd.s32 s22, s15;
	_ =	swait.ge @!p1 [sflag:s30], $0x50  }
0xb3: {  	p2 =	sgt.u32 s28, $0x4E1;
	s28 =	simm.s32 @!p1 $0x3;
	[sflag:s30] =	ssyncset.done @!p1 $0x0  }
0xb4: {  	s26 =	sadd.s32 $0x9B00, s26;
	s29 =	sand.u32 @!p2 $0x1, s23;
	[sflag:s30] =	ssyncadd.s32 @!p1 $0xFFFFFFB0  }
0xb5: {  	[spmem:s3] =	stream.indirect.scatter.add.f32 @!p1 [tilespmem:s0], [sflag:$0x3], $0x80, s2, s31, $0xb8;
	[tilespmem:$0x1EC80] =	vst v63  }
0xb6: {  	s0 =	smul.u32 @!p2 $0xA000, s29;
	_ =	swait.ge @!p1 [sflag:s28], $0x2800  }
0xb7: {  	[sflag:s28] =	ssyncset.done @!p1 $0x0  }
0xb8: {  	s2 =	simm.s32 @!p2 $0x0;
	s0 =	sshrl.u32 @!p2 s0, $0x2;
	[sflag:s28] =	ssyncadd.s32 @!p1 $0xFFFFD800  }
0xb9: {  	[tilespmem:s0], [sflag:$0x1] =	stream.linear.gather @!p2 [hbm4b:s26+s2], $0x2800, $0x38;
	[tilespmem:$0x1EC80] =	vst v63  }
0xba: {  	p1 =	sge.u32 s22, s10;
	s0 =	sshll.u32 @!p2 s29, $0x7  }
0xbb: {  	s22 =	simm.s32 @!p1 $0x1;
	s0 =	sor.u32 @!p2 $0x5000, s0  }
0xbc: {  	[tilespmem:s0], [sflag:$0x2] =	stream.linear.gather @!p2 [hbm4b:s24+s2], $0x50, $0x38;
	[tilespmem:$0x1EC80] =	vst v63  }
0xbd: {  	s31 =	sadd.s32 $0xFFFFFFFF, s23;
	_ =	swait.ge @!p1 [sflag:s22], $0x2800  }
0xbe: {  	s0 =	sand.u32 $0x1, s31;
	[sflag:s22] =	ssyncset.done @!p1 $0x0  }
0xbf: {  	s23 =	simm.s32 @!p1 $0x2;
	s2 =	smul.u32 @!p1 $0xA000, s0;
	[sflag:s22] =	ssyncadd.s32 @!p1 $0xFFFFD800  }
0xc0: {  	s24 =	simm.s32 @!p1 $0x3;
	s0 =	sshll.u32 @!p1 s0, $0x7;
	_ =	swait.ge @!p1 [sflag:s23], $0x50  }
0xc1: {  	s0 =	sor.u32 @!p1 $0x5000, s0;
	s2 =	sshrl.u32 @!p1 s2, $0x2;
	[sflag:s23] =	ssyncset.done @!p1 $0x0  }
.Ltmp7:
0xc2: {  	s22 =	simm.s32 @!p1 $0x50;
	[sflag:s23] =	ssyncadd.s32 @!p1 $0xFFFFFFB0;
	(pc) =	sbr.rel .LBB2_10-.Ltmp7, $4  }
0xc3: {  	[spmem:s3] =	stream.indirect.scatter.add.f32 @!p1 [tilespmem:s2], [sflag:$0x3], $0x80, s0, s22, $0xb8;
	[tilespmem:$0x1EC80] =	vst v63  }
0xc4: {  	_ =	swait.ge @!p1 [sflag:s24], $0x2800  }
0xc5: {  	[sflag:s24] =	ssyncset.done @!p1 $0x0  }
0xc6: {  	[sflag:s24] =	ssyncadd.s32 @!p1 $0xFFFFD800  }
.LBB2_11:
0xc7: {  	_ =	sfence.sel $0x180000  }
0xc8: {  	[bflag:$0x0] =	sbarrier.arrive $0xFFFF  }
0xc9: {  	_ =	strace $0x90000047  }
0xca: {  	s0 =	stileid.u32;
	[bflag:$0x2] =	sbarrier.arrive $0xFFFF  }
0xcb: {  	p0 =	sne.s32 s0, $0x0;
	s0 =	rddreg [dreg:$0x5]  }
0xcc: {  	s0 =	sadd.s32 @!p0 $0x100000, s0  }
0xcd: {  	[sflag:s0] =	ssyncadd.tile.s32 @!p0 $0x1;
	_ =	shalt  }
.Lfunc_end2:
_tile_overlayer_lowered:
.L_overlay_start_2:
0xce: {  	(tag) =	ssettag $0x2  }
0xcf: {  	s0 =	rddreg [dreg:$0x0];
	s2 =	stileid.u32  }
0xd0: {  	s1 =	rddreg [dreg:$0x1];
	p0 =	sne.s32 s2, $0x0  }
0xd1: {  	s3 =	rddreg [dreg:$0x2];
	[bflag:$0x3] =	sbarrier.arrive $0xFFFF;
	s2 =	simm.s32 @!p0 $0x1C03  }
0xd2: {  	[timem:s3], [sflag:s2] =	dma.local @!p0 [hbm:s0], s1  }
0xd3: {  	s0 =	simm.s32 @!p0 $0x3  }
0xd4: {  	_ =	swait.ge @!p0 [sflag:s0], s1  }
0xd5: {  	s1 =	ssub.s32 @!p0 $0x0, s1;
	[sflag:s0] =	ssyncset.done @!p0 $0x0  }
0xd6: {  	[sflag:s0] =	ssyncadd.s32 @!p0 s1  }
0xd7: {  	[bflag:$0x3] =	sbarrier.arrive $0xFFFF  }
0xd8: {  	_ =	shalt  }

</sc_bundles>
